<compile_context>
chip_gen: v7x
topology: tpu7x:2x2x1
jax: 0.10.2.dev20260603
libtpu: 0.0.44.dev20260713+nightly
codegen_flags: <defaults>
</compile_context>

<pallas_src>
import functools

import jax
import jax.numpy as jnp
from jax import lax
from jax.experimental import pallas as pl
from jax.experimental.pallas import tpu as pltpu
from jax.experimental.pallas import tpu_sc as plsc

B = 16384
H = 200
E = 32
HID = 128
OUT = 2

NC, NS = 2, 16
NW = NC * NS
RPG = 128
G = B // RPG
GPW = G // NW
IPG = RPG * H

_mesh = plsc.VectorSubcoreMesh(
    core_axis_name="c", subcore_axis_name="s", num_cores=NC, num_subcores=NS
)


_TGRP = 16


def _tr_body(x_ref, o_ref):
    xb = x_ref[...]
    o_ref[...] = (
        xb.reshape(H, _TGRP, RPG).transpose(1, 0, 2).reshape(_TGRP * H, RPG)
    )


_transpose = pl.pallas_call(
    _tr_body,
    grid=(G // _TGRP,),
    in_specs=[pl.BlockSpec((H, _TGRP * RPG), lambda i: (0, i))],
    out_specs=pl.BlockSpec((_TGRP * H, RPG), lambda i: (i, 0)),
    out_shape=jax.ShapeDtypeStruct((G * H, RPG), jnp.int32),
)

V = 1000000
_RB = 16384
_RGRID = (V + _RB - 1) // _RB


def _repack_body(t_ref, o_ref):
    t2 = t_ref[...].T.reshape(_RB // 4, 4, E)
    o_ref[...] = jnp.concatenate(
        [t2[:, 0, :], t2[:, 1, :], t2[:, 2, :], t2[:, 3, :]], axis=1
    )


_repack = pl.pallas_call(
    _repack_body,
    grid=(_RGRID,),
    in_specs=[pl.BlockSpec((E, _RB), lambda i: (0, i))],
    out_specs=pl.BlockSpec((_RB // 4, 128), lambda i: (i, 0)),
    out_shape=jax.ShapeDtypeStruct((V // 4, 128), jnp.float32),
)


@functools.partial(
    pl.kernel,
    out_type=jax.ShapeDtypeStruct((B, E), jnp.float32),
    mesh=_mesh,
    scratch_types=[
        pltpu.VMEM((2, H, RPG), jnp.int32),
        pltpu.VMEM((2, RPG, E), jnp.float32),
        pltpu.SemaphoreType.DMA,
        pltpu.SemaphoreType.DMA,
    ],
    compiler_params=pltpu.CompilerParams(use_tc_tiling_on_sc=False),
)
def _sc_pool(xt, table, out, idx_v, acc, sem0, sem1):
    wid = lax.axis_index("s") * NC + lax.axis_index("c")
    zero = jnp.zeros((16,), jnp.float32)
    sems = (sem0, sem1)

    def prep(g):
        b = g % 2
        gg = wid * GPW + g
        pltpu.sync_copy(xt.at[pl.ds(gg * H, H)], idx_v.at[b])

        def zero_body(r, carry):
            acc[b, r, pl.ds(0, 16)] = zero
            acc[b, r, pl.ds(16, 16)] = zero
            return carry

        lax.fori_loop(0, RPG, zero_body, 0, unroll=8)

        def fire_body(h, carry):
            pltpu.async_copy(
                table.at[idx_v.at[b, h]], acc.at[b], sems[b], add=True
            )
            return carry

        lax.fori_loop(0, H, fire_body, 0)

    prep(0)
    for g in range(GPW):
        b = g % 2
        if g + 1 < GPW:
            prep(g + 1)

        def drain_body(h, carry):
            pltpu.make_async_copy(
                table.at[idx_v.at[b, 0]], acc.at[b], sems[b]
            ).wait()
            return carry

        lax.fori_loop(0, H, drain_body, 0)
        gg = wid * GPW + g
        pltpu.sync_copy(acc.at[b], out.at[pl.ds(gg * RPG, RPG)])


def _mlp_body(p_ref, w1_ref, b1_ref, w2_ref, b2_ref, o_ref):
    h = jnp.dot(p_ref[...], w1_ref[...], preferred_element_type=jnp.float32)
    h = h + b1_ref[...]
    o = jnp.dot(h, w2_ref[...], preferred_element_type=jnp.float32)
    o_ref[...] = o + b2_ref[...]


_MLP_BLOCK = 2048
_mlp = pl.pallas_call(
    _mlp_body,
    grid=(B // _MLP_BLOCK,),
    in_specs=[
        pl.BlockSpec((_MLP_BLOCK, E), lambda i: (i, 0)),
        pl.BlockSpec((E, HID), lambda i: (0, 0)),
        pl.BlockSpec((1, HID), lambda i: (0, 0)),
        pl.BlockSpec((HID, OUT), lambda i: (0, 0)),
        pl.BlockSpec((1, OUT), lambda i: (0, 0)),
    ],
    out_specs=pl.BlockSpec((_MLP_BLOCK, OUT), lambda i: (i, 0)),
    out_shape=jax.ShapeDtypeStruct((B, OUT), jnp.float32),
)


@jax.jit
def kernel(x, embeddings, W1, b1, W2, b2):
    xt = _transpose(x.astype(jnp.int32).T)
    table_lin = _repack(embeddings.T).reshape(V, E)
    pooled = _sc_pool(xt, table_lin)
    return _mlp(pooled, W1, b1.reshape(1, HID), W2, b2.reshape(1, OUT))

# --- scband reference (transcript-rebuilt; emitter-appended) ---
"""Pipeline reference for scband-dense-network-66314295050365 (READ-ONLY COPY).

The authoritative reference and input builder live on the scoring server;
editing this copy changes nothing except your own understanding.
"""

import jax, jax.numpy as jnp
import numpy as np

VOCAB = 1000000
EMBED_DIM = 32
BATCH = 16384
HIST = 200
HIDDEN = 128
OUT = 2

def setup_inputs(seed: int = 0) -> dict:
    key = jax.random.key(seed)
    k1, k2, k3, k4 = jax.random.split(key, 4)
    x = jax.random.randint(k1, (BATCH, HIST), 0, VOCAB, dtype=jnp.int64 if jax.config.jax_enable_x64 else jnp.int32)
    embeddings = jax.random.normal(k2, (VOCAB, EMBED_DIM), dtype=jnp.float32)
    W1 = jax.random.normal(k3, (EMBED_DIM, HIDDEN), dtype=jnp.float32) * 0.1
    b1 = jnp.zeros((HIDDEN,), dtype=jnp.float32)
    W2 = jax.random.normal(k4, (HIDDEN, OUT), dtype=jnp.float32) * 0.1
    b2 = jnp.zeros((OUT,), dtype=jnp.float32)
    return {"x": x, "embeddings": embeddings, "W1": W1, "b1": b1, "W2": W2, "b2": b2}

def reference(x, embeddings, W1, b1, W2, b2):
    # nn.Embedding lookup (frozen table)
    embedded = jnp.take(embeddings, x, axis=0)          # [B, L, E]
    summed = jnp.sum(embedded, axis=1)                  # [B, E]
    h = summed @ W1 + b1                                # dense1
    out = h @ W2 + b2                                   # dense2
    return out

if __name__ == "__main__":
    import jax
    _d = setup_inputs()
    print(jax.jit(kernel)(*tuple(_d.values())))

</pallas_src>

<mosaic_0001>
#map = affine_map<(d0, d1) -> (0, 0)>
module attributes {stable_mosaic.version = 14 : i64} {
  func.func @_sc_pool(%arg0: i32, %arg1: i32, %arg2: memref<25600x128xi32, #tpu.memory_space<hbm>>, %arg3: memref<1000000x32xf32, #tpu.memory_space<hbm>>, %arg4: memref<16384x32xf32, #tpu.memory_space<hbm>>, %arg5: memref<2x200x128xi32, #tpu.memory_space<vmem>>, %arg6: memref<2x128x32xf32, #tpu.memory_space<vmem>>, %arg7: memref<!tpu.dma_semaphore, #tpu.memory_space<semaphore_mem>>, %arg8: memref<!tpu.dma_semaphore, #tpu.memory_space<semaphore_mem>>) attributes {dimension_semantics = [#tpu.dimension_semantics<core_parallel>, #tpu.dimension_semantics<subcore_parallel>], iteration_bounds = array<i64: 2, 16>, scalar_prefetch = 0 : i64, scratch_operands = 4 : i64, tpu.core_type = #tpu.core_type<sc_vector_subcore>, window_params = [{transform_indices = #map}, {transform_indices = #map}, {transform_indices = #map}]} {
    %mul3A = arith.constant 2 : i32
    %mul3A_0 = arith.muli %arg1, %mul3A : i32
    %add3A = arith.addi %mul3A_0, %arg0 : i32
    %broadcast_in_dim3A = arith.constant 0.000000e+00 : f32
    %broadcast_in_dim3A_1 = vector.broadcast %broadcast_in_dim3A : f32 to vector<16xf32>
    %mul3A_2 = arith.constant 4 : i32
    %mul3A_3 = arith.muli %add3A, %mul3A_2 : i32
    %add3A_4 = arith.constant 0 : i32
    %add3A_5 = arith.addi %mul3A_3, %add3A_4 : i32
    %mul3A_6 = arith.constant 200 : i32
    %mul3A_7 = arith.muli %add3A_5, %mul3A_6 : i32
    %run_scoped3A = arith.constant 0 : i32
    "tpu.region"() ({
      %run_scoped3A_128 = tpu.sem_alloc : memref<!tpu.dma_semaphore, #tpu.memory_space<semaphore_mem>>
      %dma_start3A = arith.constant 0 : i32
      %dma_start3A_129 = arith.constant 0 : i32
      %dma_start3A_130 = tpu.memref_slice %arg5[%run_scoped3A, %dma_start3A, %dma_start3A_129] : memref<2x200x128xi32, #tpu.memory_space<vmem>> -> memref<1x200x128xi32, #tpu.memory_space<vmem>>
      %dma_start3A_131 = tpu.memref_squeeze %dma_start3A_130 : memref<1x200x128xi32, #tpu.memory_space<vmem>> -> memref<200x128xi32, #tpu.memory_space<vmem>>
      %dma_start3A_132 = arith.constant 0 : i32
      %dma_start3A_133 = tpu.memref_slice %arg2[%mul3A_7, %dma_start3A_132] : memref<25600x128xi32, #tpu.memory_space<hbm>> -> memref<200x128xi32, #tpu.memory_space<hbm>>
      %dma_start3A_134 = arith.constant 0 : i32
      %dma_start3A_135 = arith.constant 0 : i32
      %dma_start3A_136 = tpu.memref_slice %arg5[%run_scoped3A, %dma_start3A_134, %dma_start3A_135] : memref<2x200x128xi32, #tpu.memory_space<vmem>> -> memref<1x200x128xi32, #tpu.memory_space<vmem>>
      %dma_start3A_137 = tpu.memref_squeeze %dma_start3A_136 : memref<1x200x128xi32, #tpu.memory_space<vmem>> -> memref<200x128xi32, #tpu.memory_space<vmem>>
      %dma_start3A_138 = arith.constant 0 : i32
      %dma_start3A_139 = tpu.memref_slice %arg2[%mul3A_7, %dma_start3A_138] : memref<25600x128xi32, #tpu.memory_space<hbm>> -> memref<200x128xi32, #tpu.memory_space<hbm>>
      tpu.enqueue_dma source(%dma_start3A_139 : memref<200x128xi32, #tpu.memory_space<hbm>>) target(%dma_start3A_137 : memref<200x128xi32, #tpu.memory_space<vmem>>) target_semaphore(%run_scoped3A_128 : memref<!tpu.dma_semaphore, #tpu.memory_space<semaphore_mem>>)
      %dma_wait3A = arith.constant 0 : i32
      %dma_wait3A_140 = arith.constant 0 : i32
      %dma_wait3A_141 = tpu.memref_slice %arg5[%run_scoped3A, %dma_wait3A, %dma_wait3A_140] : memref<2x200x128xi32, #tpu.memory_space<vmem>> -> memref<1x200x128xi32, #tpu.memory_space<vmem>>
      %dma_wait3A_142 = tpu.memref_squeeze %dma_wait3A_141 : memref<1x200x128xi32, #tpu.memory_space<vmem>> -> memref<200x128xi32, #tpu.memory_space<vmem>>
      %dma_wait3A_143 = arith.constant 0 : i32
      %dma_wait3A_144 = tpu.memref_slice %arg2[%mul3A_7, %dma_wait3A_143] : memref<25600x128xi32, #tpu.memory_space<hbm>> -> memref<200x128xi32, #tpu.memory_space<hbm>>
      %dma_wait3A_145 = arith.constant 0 : i32
      %dma_wait3A_146 = arith.constant 0 : i32
      %dma_wait3A_147 = tpu.memref_slice %arg5[%run_scoped3A, %dma_wait3A_145, %dma_wait3A_146] : memref<2x200x128xi32, #tpu.memory_space<vmem>> -> memref<1x200x128xi32, #tpu.memory_space<vmem>>
      %dma_wait3A_148 = tpu.memref_squeeze %dma_wait3A_147 : memref<1x200x128xi32, #tpu.memory_space<vmem>> -> memref<200x128xi32, #tpu.memory_space<vmem>>
      %dma_wait3A_149 = arith.constant 0 : i32
      %dma_wait3A_150 = tpu.memref_slice %arg2[%mul3A_7, %dma_wait3A_149] : memref<25600x128xi32, #tpu.memory_space<hbm>> -> memref<200x128xi32, #tpu.memory_space<hbm>>
      tpu.wait_dma2 semaphore(%run_scoped3A_128 : memref<!tpu.dma_semaphore, #tpu.memory_space<semaphore_mem>>) src(%dma_wait3A_150 : memref<200x128xi32, #tpu.memory_space<hbm>>) dst(%dma_wait3A_148 : memref<200x128xi32, #tpu.memory_space<vmem>>)
      tpu.yield
    }) : () -> ()
    %scan3A = arith.constant 0 : i32
    %scan3A_8 = arith.constant 0 : i32
    %scan3A_9 = arith.constant 128 : i32
    %scan3A_10 = arith.addi %scan3A_8, %scan3A_9 : i32
    %scan3A_11 = arith.constant 8 : i32
    scf.for %scan3A_128 = %scan3A_8 to %scan3A_10 step %scan3A_11  : i32 {
      %swap3A = arith.constant 0 : i32
      %swap3A_129 = arith.index_cast %swap3A : i32 to index
      %swap3A_130 = arith.index_cast %scan3A_128 : i32 to index
      %swap3A_131 = arith.constant 0 : index
      %swap3A_132 = tpu.vector_load %arg6[%swap3A_129, %swap3A_130, %swap3A_131] {strides = array<i32>} : memref<2x128x32xf32, #tpu.memory_space<vmem>>, vector<1x1x16xf32>,
      %swap3A_133 = vector.shape_cast %swap3A_132 : vector<1x1x16xf32> to vector<16xf32>
      %swap3A_134 = vector.shape_cast %broadcast_in_dim3A_1 : vector<16xf32> to vector<1x1x16xf32>
      tpu.vector_store %arg6[%swap3A_129, %swap3A_130, %swap3A_131], %swap3A_134 {strides = array<i32>} : memref<2x128x32xf32, #tpu.memory_space<vmem>>, vector<1x1x16xf32>,
      %swap3A_135 = arith.constant 0 : i32
      %swap3A_136 = arith.index_cast %swap3A_135 : i32 to index
      %swap3A_137 = arith.index_cast %scan3A_128 : i32 to index
      %swap3A_138 = arith.constant 16 : index
      %swap3A_139 = tpu.vector_load %arg6[%swap3A_136, %swap3A_137, %swap3A_138] {strides = array<i32>} : memref<2x128x32xf32, #tpu.memory_space<vmem>>, vector<1x1x16xf32>,
      %swap3A_140 = vector.shape_cast %swap3A_139 : vector<1x1x16xf32> to vector<16xf32>
      %swap3A_141 = vector.shape_cast %broadcast_in_dim3A_1 : vector<16xf32> to vector<1x1x16xf32>
      tpu.vector_store %arg6[%swap3A_136, %swap3A_137, %swap3A_138], %swap3A_141 {strides = array<i32>} : memref<2x128x32xf32, #tpu.memory_space<vmem>>, vector<1x1x16xf32>,
      %scan3A_142 = arith.constant 1 : i32
      %scan3A_143 = arith.addi %scan3A_128, %scan3A_142 : i32
      %swap3A_144 = arith.constant 0 : i32
      %swap3A_145 = arith.index_cast %swap3A_144 : i32 to index
      %swap3A_146 = arith.index_cast %scan3A_143 : i32 to index
      %swap3A_147 = arith.constant 0 : index
      %swap3A_148 = tpu.vector_load %arg6[%swap3A_145, %swap3A_146, %swap3A_147] {strides = array<i32>} : memref<2x128x32xf32, #tpu.memory_space<vmem>>, vector<1x1x16xf32>,
      %swap3A_149 = vector.shape_cast %swap3A_148 : vector<1x1x16xf32> to vector<16xf32>
      %swap3A_150 = vector.shape_cast %broadcast_in_dim3A_1 : vector<16xf32> to vector<1x1x16xf32>
      tpu.vector_store %arg6[%swap3A_145, %swap3A_146, %swap3A_147], %swap3A_150 {strides = array<i32>} : memref<2x128x32xf32, #tpu.memory_space<vmem>>, vector<1x1x16xf32>,
      %swap3A_151 = arith.constant 0 : i32
      %swap3A_152 = arith.index_cast %swap3A_151 : i32 to index
      %swap3A_153 = arith.index_cast %scan3A_143 : i32 to index
      %swap3A_154 = arith.constant 16 : index
      %swap3A_155 = tpu.vector_load %arg6[%swap3A_152, %swap3A_153, %swap3A_154] {strides = array<i32>} : memref<2x128x32xf32, #tpu.memory_space<vmem>>, vector<1x1x16xf32>,
      %swap3A_156 = vector.shape_cast %swap3A_155 : vector<1x1x16xf32> to vector<16xf32>
      %swap3A_157 = vector.shape_cast %broadcast_in_dim3A_1 : vector<16xf32> to vector<1x1x16xf32>
      tpu.vector_store %arg6[%swap3A_152, %swap3A_153, %swap3A_154], %swap3A_157 {strides = array<i32>} : memref<2x128x32xf32, #tpu.memory_space<vmem>>, vector<1x1x16xf32>,
      %scan3A_158 = arith.constant 2 : i32
      %scan3A_159 = arith.addi %scan3A_128, %scan3A_158 : i32
      %swap3A_160 = arith.constant 0 : i32
      %swap3A_161 = arith.index_cast %swap3A_160 : i32 to index
      %swap3A_162 = arith.index_cast %scan3A_159 : i32 to index
      %swap3A_163 = arith.constant 0 : index
      %swap3A_164 = tpu.vector_load %arg6[%swap3A_161, %swap3A_162, %swap3A_163] {strides = array<i32>} : memref<2x128x32xf32, #tpu.memory_space<vmem>>, vector<1x1x16xf32>,
      %swap3A_165 = vector.shape_cast %swap3A_164 : vector<1x1x16xf32> to vector<16xf32>
      %swap3A_166 = vector.shape_cast %broadcast_in_dim3A_1 : vector<16xf32> to vector<1x1x16xf32>
      tpu.vector_store %arg6[%swap3A_161, %swap3A_162, %swap3A_163], %swap3A_166 {strides = array<i32>} : memref<2x128x32xf32, #tpu.memory_space<vmem>>, vector<1x1x16xf32>,
      %swap3A_167 = arith.constant 0 : i32
      %swap3A_168 = arith.index_cast %swap3A_167 : i32 to index
      %swap3A_169 = arith.index_cast %scan3A_159 : i32 to index
      %swap3A_170 = arith.constant 16 : index
      %swap3A_171 = tpu.vector_load %arg6[%swap3A_168, %swap3A_169, %swap3A_170] {strides = array<i32>} : memref<2x128x32xf32, #tpu.memory_space<vmem>>, vector<1x1x16xf32>,
      %swap3A_172 = vector.shape_cast %swap3A_171 : vector<1x1x16xf32> to vector<16xf32>
      %swap3A_173 = vector.shape_cast %broadcast_in_dim3A_1 : vector<16xf32> to vector<1x1x16xf32>
      tpu.vector_store %arg6[%swap3A_168, %swap3A_169, %swap3A_170], %swap3A_173 {strides = array<i32>} : memref<2x128x32xf32, #tpu.memory_space<vmem>>, vector<1x1x16xf32>,
      %scan3A_174 = arith.constant 3 : i32
      %scan3A_175 = arith.addi %scan3A_128, %scan3A_174 : i32
      %swap3A_176 = arith.constant 0 : i32
      %swap3A_177 = arith.index_cast %swap3A_176 : i32 to index
      %swap3A_178 = arith.index_cast %scan3A_175 : i32 to index
      %swap3A_179 = arith.constant 0 : index
      %swap3A_180 = tpu.vector_load %arg6[%swap3A_177, %swap3A_178, %swap3A_179] {strides = array<i32>} : memref<2x128x32xf32, #tpu.memory_space<vmem>>, vector<1x1x16xf32>,
      %swap3A_181 = vector.shape_cast %swap3A_180 : vector<1x1x16xf32> to vector<16xf32>
      %swap3A_182 = vector.shape_cast %broadcast_in_dim3A_1 : vector<16xf32> to vector<1x1x16xf32>
      tpu.vector_store %arg6[%swap3A_177, %swap3A_178, %swap3A_179], %swap3A_182 {strides = array<i32>} : memref<2x128x32xf32, #tpu.memory_space<vmem>>, vector<1x1x16xf32>,
      %swap3A_183 = arith.constant 0 : i32
      %swap3A_184 = arith.index_cast %swap3A_183 : i32 to index
      %swap3A_185 = arith.index_cast %scan3A_175 : i32 to index
      %swap3A_186 = arith.constant 16 : index
      %swap3A_187 = tpu.vector_load %arg6[%swap3A_184, %swap3A_185, %swap3A_186] {strides = array<i32>} : memref<2x128x32xf32, #tpu.memory_space<vmem>>, vector<1x1x16xf32>,
      %swap3A_188 = vector.shape_cast %swap3A_187 : vector<1x1x16xf32> to vector<16xf32>
      %swap3A_189 = vector.shape_cast %broadcast_in_dim3A_1 : vector<16xf32> to vector<1x1x16xf32>
      tpu.vector_store %arg6[%swap3A_184, %swap3A_185, %swap3A_186], %swap3A_189 {strides = array<i32>} : memref<2x128x32xf32, #tpu.memory_space<vmem>>, vector<1x1x16xf32>,
      %scan3A_190 = arith.constant 4 : i32
      %scan3A_191 = arith.addi %scan3A_128, %scan3A_190 : i32
      %swap3A_192 = arith.constant 0 : i32
      %swap3A_193 = arith.index_cast %swap3A_192 : i32 to index
      %swap3A_194 = arith.index_cast %scan3A_191 : i32 to index
      %swap3A_195 = arith.constant 0 : index
      %swap3A_196 = tpu.vector_load %arg6[%swap3A_193, %swap3A_194, %swap3A_195] {strides = array<i32>} : memref<2x128x32xf32, #tpu.memory_space<vmem>>, vector<1x1x16xf32>,
      %swap3A_197 = vector.shape_cast %swap3A_196 : vector<1x1x16xf32> to vector<16xf32>
      %swap3A_198 = vector.shape_cast %broadcast_in_dim3A_1 : vector<16xf32> to vector<1x1x16xf32>
      tpu.vector_store %arg6[%swap3A_193, %swap3A_194, %swap3A_195], %swap3A_198 {strides = array<i32>} : memref<2x128x32xf32, #tpu.memory_space<vmem>>, vector<1x1x16xf32>,
      %swap3A_199 = arith.constant 0 : i32
      %swap3A_200 = arith.index_cast %swap3A_199 : i32 to index
      %swap3A_201 = arith.index_cast %scan3A_191 : i32 to index
      %swap3A_202 = arith.constant 16 : index
      %swap3A_203 = tpu.vector_load %arg6[%swap3A_200, %swap3A_201, %swap3A_202] {strides = array<i32>} : memref<2x128x32xf32, #tpu.memory_space<vmem>>, vector<1x1x16xf32>,
      %swap3A_204 = vector.shape_cast %swap3A_203 : vector<1x1x16xf32> to vector<16xf32>
      %swap3A_205 = vector.shape_cast %broadcast_in_dim3A_1 : vector<16xf32> to vector<1x1x16xf32>
      tpu.vector_store %arg6[%swap3A_200, %swap3A_201, %swap3A_202], %swap3A_205 {strides = array<i32>} : memref<2x128x32xf32, #tpu.memory_space<vmem>>, vector<1x1x16xf32>,
      %scan3A_206 = arith.constant 5 : i32
      %scan3A_207 = arith.addi %scan3A_128, %scan3A_206 : i32
      %swap3A_208 = arith.constant 0 : i32
      %swap3A_209 = arith.index_cast %swap3A_208 : i32 to index
      %swap3A_210 = arith.index_cast %scan3A_207 : i32 to index
      %swap3A_211 = arith.constant 0 : index
      %swap3A_212 = tpu.vector_load %arg6[%swap3A_209, %swap3A_210, %swap3A_211] {strides = array<i32>} : memref<2x128x32xf32, #tpu.memory_space<vmem>>, vector<1x1x16xf32>,
      %swap3A_213 = vector.shape_cast %swap3A_212 : vector<1x1x16xf32> to vector<16xf32>
      %swap3A_214 = vector.shape_cast %broadcast_in_dim3A_1 : vector<16xf32> to vector<1x1x16xf32>
      tpu.vector_store %arg6[%swap3A_209, %swap3A_210, %swap3A_211], %swap3A_214 {strides = array<i32>} : memref<2x128x32xf32, #tpu.memory_space<vmem>>, vector<1x1x16xf32>,
      %swap3A_215 = arith.constant 0 : i32
      %swap3A_216 = arith.index_cast %swap3A_215 : i32 to index
      %swap3A_217 = arith.index_cast %scan3A_207 : i32 to index
      %swap3A_218 = arith.constant 16 : index
      %swap3A_219 = tpu.vector_load %arg6[%swap3A_216, %swap3A_217, %swap3A_218] {strides = array<i32>} : memref<2x128x32xf32, #tpu.memory_space<vmem>>, vector<1x1x16xf32>,
      %swap3A_220 = vector.shape_cast %swap3A_219 : vector<1x1x16xf32> to vector<16xf32>
      %swap3A_221 = vector.shape_cast %broadcast_in_dim3A_1 : vector<16xf32> to vector<1x1x16xf32>
      tpu.vector_store %arg6[%swap3A_216, %swap3A_217, %swap3A_218], %swap3A_221 {strides = array<i32>} : memref<2x128x32xf32, #tpu.memory_space<vmem>>, vector<1x1x16xf32>,
      %scan3A_222 = arith.constant 6 : i32
      %scan3A_223 = arith.addi %scan3A_128, %scan3A_222 : i32
      %swap3A_224 = arith.constant 0 : i32
      %swap3A_225 = arith.index_cast %swap3A_224 : i32 to index
      %swap3A_226 = arith.index_cast %scan3A_223 : i32 to index
      %swap3A_227 = arith.constant 0 : index
      %swap3A_228 = tpu.vector_load %arg6[%swap3A_225, %swap3A_226, %swap3A_227] {strides = array<i32>} : memref<2x128x32xf32, #tpu.memory_space<vmem>>, vector<1x1x16xf32>,
      %swap3A_229 = vector.shape_cast %swap3A_228 : vector<1x1x16xf32> to vector<16xf32>
      %swap3A_230 = vector.shape_cast %broadcast_in_dim3A_1 : vector<16xf32> to vector<1x1x16xf32>
      tpu.vector_store %arg6[%swap3A_225, %swap3A_226, %swap3A_227], %swap3A_230 {strides = array<i32>} : memref<2x128x32xf32, #tpu.memory_space<vmem>>, vector<1x1x16xf32>,
      %swap3A_231 = arith.constant 0 : i32
      %swap3A_232 = arith.index_cast %swap3A_231 : i32 to index
      %swap3A_233 = arith.index_cast %scan3A_223 : i32 to index
      %swap3A_234 = arith.constant 16 : index
      %swap3A_235 = tpu.vector_load %arg6[%swap3A_232, %swap3A_233, %swap3A_234] {strides = array<i32>} : memref<2x128x32xf32, #tpu.memory_space<vmem>>, vector<1x1x16xf32>,
      %swap3A_236 = vector.shape_cast %swap3A_235 : vector<1x1x16xf32> to vector<16xf32>
      %swap3A_237 = vector.shape_cast %broadcast_in_dim3A_1 : vector<16xf32> to vector<1x1x16xf32>
      tpu.vector_store %arg6[%swap3A_232, %swap3A_233, %swap3A_234], %swap3A_237 {strides = array<i32>} : memref<2x128x32xf32, #tpu.memory_space<vmem>>, vector<1x1x16xf32>,
      %scan3A_238 = arith.constant 7 : i32
      %scan3A_239 = arith.addi %scan3A_128, %scan3A_238 : i32
      %swap3A_240 = arith.constant 0 : i32
      %swap3A_241 = arith.index_cast %swap3A_240 : i32 to index
      %swap3A_242 = arith.index_cast %scan3A_239 : i32 to index
      %swap3A_243 = arith.constant 0 : index
      %swap3A_244 = tpu.vector_load %arg6[%swap3A_241, %swap3A_242, %swap3A_243] {strides = array<i32>} : memref<2x128x32xf32, #tpu.memory_space<vmem>>, vector<1x1x16xf32>,
      %swap3A_245 = vector.shape_cast %swap3A_244 : vector<1x1x16xf32> to vector<16xf32>
      %swap3A_246 = vector.shape_cast %broadcast_in_dim3A_1 : vector<16xf32> to vector<1x1x16xf32>
      tpu.vector_store %arg6[%swap3A_241, %swap3A_242, %swap3A_243], %swap3A_246 {strides = array<i32>} : memref<2x128x32xf32, #tpu.memory_space<vmem>>, vector<1x1x16xf32>,
      %swap3A_247 = arith.constant 0 : i32
      %swap3A_248 = arith.index_cast %swap3A_247 : i32 to index
      %swap3A_249 = arith.index_cast %scan3A_239 : i32 to index
      %swap3A_250 = arith.constant 16 : index
      %swap3A_251 = tpu.vector_load %arg6[%swap3A_248, %swap3A_249, %swap3A_250] {strides = array<i32>} : memref<2x128x32xf32, #tpu.memory_space<vmem>>, vector<1x1x16xf32>,
      %swap3A_252 = vector.shape_cast %swap3A_251 : vector<1x1x16xf32> to vector<16xf32>
      %swap3A_253 = vector.shape_cast %broadcast_in_dim3A_1 : vector<16xf32> to vector<1x1x16xf32>
      tpu.vector_store %arg6[%swap3A_248, %swap3A_249, %swap3A_250], %swap3A_253 {strides = array<i32>} : memref<2x128x32xf32, #tpu.memory_space<vmem>>, vector<1x1x16xf32>,
    }
    %scan3A_12 = arith.constant 128 : i32
    %scan3A_13 = arith.constant 0 : i32
    %scan3A_14 = arith.constant 0 : i32
    %scan3A_15 = arith.constant 200 : i32
    %scan3A_16 = arith.addi %scan3A_14, %scan3A_15 : i32
    %scan3A_17 = arith.constant 1 : i32
    scf.for %scan3A_128 = %scan3A_14 to %scan3A_16 step %scan3A_17  : i32 {
      %dma_start3A = arith.constant 0 : i32
      %dma_start3A_129 = arith.constant 0 : i32
      %dma_start3A_130 = arith.constant 0 : i32
      %dma_start3A_131 = arith.constant 0 : i32
      %dma_start3A_132 = tpu.memref_slice %arg6[%dma_start3A_129, %dma_start3A_130, %dma_start3A_131] : memref<2x128x32xf32, #tpu.memory_space<vmem>> -> memref<1x128x32xf32, #tpu.memory_space<vmem>>
      %dma_start3A_133 = tpu.memref_squeeze %dma_start3A_132 : memref<1x128x32xf32, #tpu.memory_space<vmem>> -> memref<128x32xf32, #tpu.memory_space<vmem>>
      %dma_start3A_134 = arith.constant 0 : i32
      %dma_start3A_135 = tpu.memref_slice %arg5[%dma_start3A, %scan3A_128, %dma_start3A_134] : memref<2x200x128xi32, #tpu.memory_space<vmem>> -> memref<1x1x128xi32, #tpu.memory_space<vmem>>
      %dma_start3A_136 = tpu.memref_squeeze %dma_start3A_135 : memref<1x1x128xi32, #tpu.memory_space<vmem>> -> memref<128xi32, #tpu.memory_space<vmem>>
      %dma_start3A_137 = arith.constant 0 : i32
      %dma_start3A_138 = arith.constant 0 : i32
      %dma_start3A_139 = tpu.memref_slice %arg3[%dma_start3A_137, %dma_start3A_138] : memref<1000000x32xf32, #tpu.memory_space<hbm>> -> memref<1000000x32xf32, #tpu.memory_space<hbm>>
      tpu.enqueue_indirect_dma source(%dma_start3A_139 : memref<1000000x32xf32, #tpu.memory_space<hbm>>) target(%dma_start3A_133 : memref<128x32xf32, #tpu.memory_space<vmem>>) offsets(%dma_start3A_136 : memref<128xi32, #tpu.memory_space<vmem>>) semaphore(%arg7 : memref<!tpu.dma_semaphore, #tpu.memory_space<semaphore_mem>>) {add = true}
    }
    %scan3A_18 = arith.constant 200 : i32
    %mul3A_19 = arith.constant 4 : i32
    %mul3A_20 = arith.muli %add3A, %mul3A_19 : i32
    %add3A_21 = arith.constant 1 : i32
    %add3A_22 = arith.addi %mul3A_20, %add3A_21 : i32
    %mul3A_23 = arith.constant 200 : i32
    %mul3A_24 = arith.muli %add3A_22, %mul3A_23 : i32
    %run_scoped3A_25 = arith.constant 1 : i32
    "tpu.region"() ({
      %run_scoped3A_128 = tpu.sem_alloc : memref<!tpu.dma_semaphore, #tpu.memory_space<semaphore_mem>>
      %dma_start3A = arith.constant 0 : i32
      %dma_start3A_129 = arith.constant 0 : i32
      %dma_start3A_130 = tpu.memref_slice %arg5[%run_scoped3A_25, %dma_start3A, %dma_start3A_129] : memref<2x200x128xi32, #tpu.memory_space<vmem>> -> memref<1x200x128xi32, #tpu.memory_space<vmem>>
      %dma_start3A_131 = tpu.memref_squeeze %dma_start3A_130 : memref<1x200x128xi32, #tpu.memory_space<vmem>> -> memref<200x128xi32, #tpu.memory_space<vmem>>
      %dma_start3A_132 = arith.constant 0 : i32
      %dma_start3A_133 = tpu.memref_slice %arg2[%mul3A_24, %dma_start3A_132] : memref<25600x128xi32, #tpu.memory_space<hbm>> -> memref<200x128xi32, #tpu.memory_space<hbm>>
      %dma_start3A_134 = arith.constant 0 : i32
      %dma_start3A_135 = arith.constant 0 : i32
      %dma_start3A_136 = tpu.memref_slice %arg5[%run_scoped3A_25, %dma_start3A_134, %dma_start3A_135] : memref<2x200x128xi32, #tpu.memory_space<vmem>> -> memref<1x200x128xi32, #tpu.memory_space<vmem>>
      %dma_start3A_137 = tpu.memref_squeeze %dma_start3A_136 : memref<1x200x128xi32, #tpu.memory_space<vmem>> -> memref<200x128xi32, #tpu.memory_space<vmem>>
      %dma_start3A_138 = arith.constant 0 : i32
      %dma_start3A_139 = tpu.memref_slice %arg2[%mul3A_24, %dma_start3A_138] : memref<25600x128xi32, #tpu.memory_space<hbm>> -> memref<200x128xi32, #tpu.memory_space<hbm>>
      tpu.enqueue_dma source(%dma_start3A_139 : memref<200x128xi32, #tpu.memory_space<hbm>>) target(%dma_start3A_137 : memref<200x128xi32, #tpu.memory_space<vmem>>) target_semaphore(%run_scoped3A_128 : memref<!tpu.dma_semaphore, #tpu.memory_space<semaphore_mem>>)
      %dma_wait3A = arith.constant 0 : i32
      %dma_wait3A_140 = arith.constant 0 : i32
      %dma_wait3A_141 = tpu.memref_slice %arg5[%run_scoped3A_25, %dma_wait3A, %dma_wait3A_140] : memref<2x200x128xi32, #tpu.memory_space<vmem>> -> memref<1x200x128xi32, #tpu.memory_space<vmem>>
      %dma_wait3A_142 = tpu.memref_squeeze %dma_wait3A_141 : memref<1x200x128xi32, #tpu.memory_space<vmem>> -> memref<200x128xi32, #tpu.memory_space<vmem>>
      %dma_wait3A_143 = arith.constant 0 : i32
      %dma_wait3A_144 = tpu.memref_slice %arg2[%mul3A_24, %dma_wait3A_143] : memref<25600x128xi32, #tpu.memory_space<hbm>> -> memref<200x128xi32, #tpu.memory_space<hbm>>
      %dma_wait3A_145 = arith.constant 0 : i32
      %dma_wait3A_146 = arith.constant 0 : i32
      %dma_wait3A_147 = tpu.memref_slice %arg5[%run_scoped3A_25, %dma_wait3A_145, %dma_wait3A_146] : memref<2x200x128xi32, #tpu.memory_space<vmem>> -> memref<1x200x128xi32, #tpu.memory_space<vmem>>
      %dma_wait3A_148 = tpu.memref_squeeze %dma_wait3A_147 : memref<1x200x128xi32, #tpu.memory_space<vmem>> -> memref<200x128xi32, #tpu.memory_space<vmem>>
      %dma_wait3A_149 = arith.constant 0 : i32
      %dma_wait3A_150 = tpu.memref_slice %arg2[%mul3A_24, %dma_wait3A_149] : memref<25600x128xi32, #tpu.memory_space<hbm>> -> memref<200x128xi32, #tpu.memory_space<hbm>>
      tpu.wait_dma2 semaphore(%run_scoped3A_128 : memref<!tpu.dma_semaphore, #tpu.memory_space<semaphore_mem>>) src(%dma_wait3A_150 : memref<200x128xi32, #tpu.memory_space<hbm>>) dst(%dma_wait3A_148 : memref<200x128xi32, #tpu.memory_space<vmem>>)
      tpu.yield
    }) : () -> ()
    %scan3A_26 = arith.constant 0 : i32
    %scan3A_27 = arith.constant 0 : i32
    %scan3A_28 = arith.constant 128 : i32
    %scan3A_29 = arith.addi %scan3A_27, %scan3A_28 : i32
    %scan3A_30 = arith.constant 8 : i32
    scf.for %scan3A_128 = %scan3A_27 to %scan3A_29 step %scan3A_30  : i32 {
      %swap3A = arith.constant 1 : i32
      %swap3A_129 = arith.index_cast %swap3A : i32 to index
      %swap3A_130 = arith.index_cast %scan3A_128 : i32 to index
      %swap3A_131 = arith.constant 0 : index
      %swap3A_132 = tpu.vector_load %arg6[%swap3A_129, %swap3A_130, %swap3A_131] {strides = array<i32>} : memref<2x128x32xf32, #tpu.memory_space<vmem>>, vector<1x1x16xf32>,
      %swap3A_133 = vector.shape_cast %swap3A_132 : vector<1x1x16xf32> to vector<16xf32>
      %swap3A_134 = vector.shape_cast %broadcast_in_dim3A_1 : vector<16xf32> to vector<1x1x16xf32>
      tpu.vector_store %arg6[%swap3A_129, %swap3A_130, %swap3A_131], %swap3A_134 {strides = array<i32>} : memref<2x128x32xf32, #tpu.memory_space<vmem>>, vector<1x1x16xf32>,
      %swap3A_135 = arith.constant 1 : i32
      %swap3A_136 = arith.index_cast %swap3A_135 : i32 to index
      %swap3A_137 = arith.index_cast %scan3A_128 : i32 to index
      %swap3A_138 = arith.constant 16 : index
      %swap3A_139 = tpu.vector_load %arg6[%swap3A_136, %swap3A_137, %swap3A_138] {strides = array<i32>} : memref<2x128x32xf32, #tpu.memory_space<vmem>>, vector<1x1x16xf32>,
      %swap3A_140 = vector.shape_cast %swap3A_139 : vector<1x1x16xf32> to vector<16xf32>
      %swap3A_141 = vector.shape_cast %broadcast_in_dim3A_1 : vector<16xf32> to vector<1x1x16xf32>
      tpu.vector_store %arg6[%swap3A_136, %swap3A_137, %swap3A_138], %swap3A_141 {strides = array<i32>} : memref<2x128x32xf32, #tpu.memory_space<vmem>>, vector<1x1x16xf32>,
      %scan3A_142 = arith.constant 1 : i32
      %scan3A_143 = arith.addi %scan3A_128, %scan3A_142 : i32
      %swap3A_144 = arith.constant 1 : i32
      %swap3A_145 = arith.index_cast %swap3A_144 : i32 to index
      %swap3A_146 = arith.index_cast %scan3A_143 : i32 to index
      %swap3A_147 = arith.constant 0 : index
      %swap3A_148 = tpu.vector_load %arg6[%swap3A_145, %swap3A_146, %swap3A_147] {strides = array<i32>} : memref<2x128x32xf32, #tpu.memory_space<vmem>>, vector<1x1x16xf32>,
      %swap3A_149 = vector.shape_cast %swap3A_148 : vector<1x1x16xf32> to vector<16xf32>
      %swap3A_150 = vector.shape_cast %broadcast_in_dim3A_1 : vector<16xf32> to vector<1x1x16xf32>
      tpu.vector_store %arg6[%swap3A_145, %swap3A_146, %swap3A_147], %swap3A_150 {strides = array<i32>} : memref<2x128x32xf32, #tpu.memory_space<vmem>>, vector<1x1x16xf32>,
      %swap3A_151 = arith.constant 1 : i32
      %swap3A_152 = arith.index_cast %swap3A_151 : i32 to index
      %swap3A_153 = arith.index_cast %scan3A_143 : i32 to index
      %swap3A_154 = arith.constant 16 : index
      %swap3A_155 = tpu.vector_load %arg6[%swap3A_152, %swap3A_153, %swap3A_154] {strides = array<i32>} : memref<2x128x32xf32, #tpu.memory_space<vmem>>, vector<1x1x16xf32>,
      %swap3A_156 = vector.shape_cast %swap3A_155 : vector<1x1x16xf32> to vector<16xf32>
      %swap3A_157 = vector.shape_cast %broadcast_in_dim3A_1 : vector<16xf32> to vector<1x1x16xf32>
      tpu.vector_store %arg6[%swap3A_152, %swap3A_153, %swap3A_154], %swap3A_157 {strides = array<i32>} : memref<2x128x32xf32, #tpu.memory_space<vmem>>, vector<1x1x16xf32>,
      %scan3A_158 = arith.constant 2 : i32
      %scan3A_159 = arith.addi %scan3A_128, %scan3A_158 : i32
      %swap3A_160 = arith.constant 1 : i32
      %swap3A_161 = arith.index_cast %swap3A_160 : i32 to index
      %swap3A_162 = arith.index_cast %scan3A_159 : i32 to index
      %swap3A_163 = arith.constant 0 : index
      %swap3A_164 = tpu.vector_load %arg6[%swap3A_161, %swap3A_162, %swap3A_163] {strides = array<i32>} : memref<2x128x32xf32, #tpu.memory_space<vmem>>, vector<1x1x16xf32>,
      %swap3A_165 = vector.shape_cast %swap3A_164 : vector<1x1x16xf32> to vector<16xf32>
      %swap3A_166 = vector.shape_cast %broadcast_in_dim3A_1 : vector<16xf32> to vector<1x1x16xf32>
      tpu.vector_store %arg6[%swap3A_161, %swap3A_162, %swap3A_163], %swap3A_166 {strides = array<i32>} : memref<2x128x32xf32, #tpu.memory_space<vmem>>, vector<1x1x16xf32>,
      %swap3A_167 = arith.constant 1 : i32
      %swap3A_168 = arith.index_cast %swap3A_167 : i32 to index
      %swap3A_169 = arith.index_cast %scan3A_159 : i32 to index
      %swap3A_170 = arith.constant 16 : index
      %swap3A_171 = tpu.vector_load %arg6[%swap3A_168, %swap3A_169, %swap3A_170] {strides = array<i32>} : memref<2x128x32xf32, #tpu.memory_space<vmem>>, vector<1x1x16xf32>,
      %swap3A_172 = vector.shape_cast %swap3A_171 : vector<1x1x16xf32> to vector<16xf32>
      %swap3A_173 = vector.shape_cast %broadcast_in_dim3A_1 : vector<16xf32> to vector<1x1x16xf32>
      tpu.vector_store %arg6[%swap3A_168, %swap3A_169, %swap3A_170], %swap3A_173 {strides = array<i32>} : memref<2x128x32xf32, #tpu.memory_space<vmem>>, vector<1x1x16xf32>,
      %scan3A_174 = arith.constant 3 : i32
      %scan3A_175 = arith.addi %scan3A_128, %scan3A_174 : i32
      %swap3A_176 = arith.constant 1 : i32
      %swap3A_177 = arith.index_cast %swap3A_176 : i32 to index
      %swap3A_178 = arith.index_cast %scan3A_175 : i32 to index
      %swap3A_179 = arith.constant 0 : index
      %swap3A_180 = tpu.vector_load %arg6[%swap3A_177, %swap3A_178, %swap3A_179] {strides = array<i32>} : memref<2x128x32xf32, #tpu.memory_space<vmem>>, vector<1x1x16xf32>,
      %swap3A_181 = vector.shape_cast %swap3A_180 : vector<1x1x16xf32> to vector<16xf32>
      %swap3A_182 = vector.shape_cast %broadcast_in_dim3A_1 : vector<16xf32> to vector<1x1x16xf32>
      tpu.vector_store %arg6[%swap3A_177, %swap3A_178, %swap3A_179], %swap3A_182 {strides = array<i32>} : memref<2x128x32xf32, #tpu.memory_space<vmem>>, vector<1x1x16xf32>,
      %swap3A_183 = arith.constant 1 : i32
      %swap3A_184 = arith.index_cast %swap3A_183 : i32 to index
      %swap3A_185 = arith.index_cast %scan3A_175 : i32 to index
      %swap3A_186 = arith.constant 16 : index
      %swap3A_187 = tpu.vector_load %arg6[%swap3A_184, %swap3A_185, %swap3A_186] {strides = array<i32>} : memref<2x128x32xf32, #tpu.memory_space<vmem>>, vector<1x1x16xf32>,
      %swap3A_188 = vector.shape_cast %swap3A_187 : vector<1x1x16xf32> to vector<16xf32>
      %swap3A_189 = vector.shape_cast %broadcast_in_dim3A_1 : vector<16xf32> to vector<1x1x16xf32>
      tpu.vector_store %arg6[%swap3A_184, %swap3A_185, %swap3A_186], %swap3A_189 {strides = array<i32>} : memref<2x128x32xf32, #tpu.memory_space<vmem>>, vector<1x1x16xf32>,
      %scan3A_190 = arith.constant 4 : i32
      %scan3A_191 = arith.addi %scan3A_128, %scan3A_190 : i32
      %swap3A_192 = arith.constant 1 : i32
      %swap3A_193 = arith.index_cast %swap3A_192 : i32 to index
      %swap3A_194 = arith.index_cast %scan3A_191 : i32 to index
      %swap3A_195 = arith.constant 0 : index
      %swap3A_196 = tpu.vector_load %arg6[%swap3A_193, %swap3A_194, %swap3A_195] {strides = array<i32>} : memref<2x128x32xf32, #tpu.memory_space<vmem>>, vector<1x1x16xf32>,
      %swap3A_197 = vector.shape_cast %swap3A_196 : vector<1x1x16xf32> to vector<16xf32>
      %swap3A_198 = vector.shape_cast %broadcast_in_dim3A_1 : vector<16xf32> to vector<1x1x16xf32>
      tpu.vector_store %arg6[%swap3A_193, %swap3A_194, %swap3A_195], %swap3A_198 {strides = array<i32>} : memref<2x128x32xf32, #tpu.memory_space<vmem>>, vector<1x1x16xf32>,
      %swap3A_199 = arith.constant 1 : i32
      %swap3A_200 = arith.index_cast %swap3A_199 : i32 to index
      %swap3A_201 = arith.index_cast %scan3A_191 : i32 to index
      %swap3A_202 = arith.constant 16 : index
      %swap3A_203 = tpu.vector_load %arg6[%swap3A_200, %swap3A_201, %swap3A_202] {strides = array<i32>} : memref<2x128x32xf32, #tpu.memory_space<vmem>>, vector<1x1x16xf32>,
      %swap3A_204 = vector.shape_cast %swap3A_203 : vector<1x1x16xf32> to vector<16xf32>
      %swap3A_205 = vector.shape_cast %broadcast_in_dim3A_1 : vector<16xf32> to vector<1x1x16xf32>
      tpu.vector_store %arg6[%swap3A_200, %swap3A_201, %swap3A_202], %swap3A_205 {strides = array<i32>} : memref<2x128x32xf32, #tpu.memory_space<vmem>>, vector<1x1x16xf32>,
      %scan3A_206 = arith.constant 5 : i32
      %scan3A_207 = arith.addi %scan3A_128, %scan3A_206 : i32
      %swap3A_208 = arith.constant 1 : i32
      %swap3A_209 = arith.index_cast %swap3A_208 : i32 to index
      %swap3A_210 = arith.index_cast %scan3A_207 : i32 to index
      %swap3A_211 = arith.constant 0 : index
      %swap3A_212 = tpu.vector_load %arg6[%swap3A_209, %swap3A_210, %swap3A_211] {strides = array<i32>} : memref<2x128x32xf32, #tpu.memory_space<vmem>>, vector<1x1x16xf32>,
      %swap3A_213 = vector.shape_cast %swap3A_212 : vector<1x1x16xf32> to vector<16xf32>
      %swap3A_214 = vector.shape_cast %broadcast_in_dim3A_1 : vector<16xf32> to vector<1x1x16xf32>
      tpu.vector_store %arg6[%swap3A_209, %swap3A_210, %swap3A_211], %swap3A_214 {strides = array<i32>} : memref<2x128x32xf32, #tpu.memory_space<vmem>>, vector<1x1x16xf32>,
      %swap3A_215 = arith.constant 1 : i32
      %swap3A_216 = arith.index_cast %swap3A_215 : i32 to index
      %swap3A_217 = arith.index_cast %scan3A_207 : i32 to index
      %swap3A_218 = arith.constant 16 : index
      %swap3A_219 = tpu.vector_load %arg6[%swap3A_216, %swap3A_217, %swap3A_218] {strides = array<i32>} : memref<2x128x32xf32, #tpu.memory_space<vmem>>, vector<1x1x16xf32>,
      %swap3A_220 = vector.shape_cast %swap3A_219 : vector<1x1x16xf32> to vector<16xf32>
      %swap3A_221 = vector.shape_cast %broadcast_in_dim3A_1 : vector<16xf32> to vector<1x1x16xf32>
      tpu.vector_store %arg6[%swap3A_216, %swap3A_217, %swap3A_218], %swap3A_221 {strides = array<i32>} : memref<2x128x32xf32, #tpu.memory_space<vmem>>, vector<1x1x16xf32>,
      %scan3A_222 = arith.constant 6 : i32
      %scan3A_223 = arith.addi %scan3A_128, %scan3A_222 : i32
      %swap3A_224 = arith.constant 1 : i32
      %swap3A_225 = arith.index_cast %swap3A_224 : i32 to index
      %swap3A_226 = arith.index_cast %scan3A_223 : i32 to index
      %swap3A_227 = arith.constant 0 : index
      %swap3A_228 = tpu.vector_load %arg6[%swap3A_225, %swap3A_226, %swap3A_227] {strides = array<i32>} : memref<2x128x32xf32, #tpu.memory_space<vmem>>, vector<1x1x16xf32>,
      %swap3A_229 = vector.shape_cast %swap3A_228 : vector<1x1x16xf32> to vector<16xf32>
      %swap3A_230 = vector.shape_cast %broadcast_in_dim3A_1 : vector<16xf32> to vector<1x1x16xf32>
      tpu.vector_store %arg6[%swap3A_225, %swap3A_226, %swap3A_227], %swap3A_230 {strides = array<i32>} : memref<2x128x32xf32, #tpu.memory_space<vmem>>, vector<1x1x16xf32>,
      %swap3A_231 = arith.constant 1 : i32
      %swap3A_232 = arith.index_cast %swap3A_231 : i32 to index
      %swap3A_233 = arith.index_cast %scan3A_223 : i32 to index
      %swap3A_234 = arith.constant 16 : index
      %swap3A_235 = tpu.vector_load %arg6[%swap3A_232, %swap3A_233, %swap3A_234] {strides = array<i32>} : memref<2x128x32xf32, #tpu.memory_space<vmem>>, vector<1x1x16xf32>,
      %swap3A_236 = vector.shape_cast %swap3A_235 : vector<1x1x16xf32> to vector<16xf32>
      %swap3A_237 = vector.shape_cast %broadcast_in_dim3A_1 : vector<16xf32> to vector<1x1x16xf32>
      tpu.vector_store %arg6[%swap3A_232, %swap3A_233, %swap3A_234], %swap3A_237 {strides = array<i32>} : memref<2x128x32xf32, #tpu.memory_space<vmem>>, vector<1x1x16xf32>,
      %scan3A_238 = arith.constant 7 : i32
      %scan3A_239 = arith.addi %scan3A_128, %scan3A_238 : i32
      %swap3A_240 = arith.constant 1 : i32
      %swap3A_241 = arith.index_cast %swap3A_240 : i32 to index
      %swap3A_242 = arith.index_cast %scan3A_239 : i32 to index
      %swap3A_243 = arith.constant 0 : index
      %swap3A_244 = tpu.vector_load %arg6[%swap3A_241, %swap3A_242, %swap3A_243] {strides = array<i32>} : memref<2x128x32xf32, #tpu.memory_space<vmem>>, vector<1x1x16xf32>,
      %swap3A_245 = vector.shape_cast %swap3A_244 : vector<1x1x16xf32> to vector<16xf32>
      %swap3A_246 = vector.shape_cast %broadcast_in_dim3A_1 : vector<16xf32> to vector<1x1x16xf32>
      tpu.vector_store %arg6[%swap3A_241, %swap3A_242, %swap3A_243], %swap3A_246 {strides = array<i32>} : memref<2x128x32xf32, #tpu.memory_space<vmem>>, vector<1x1x16xf32>,
      %swap3A_247 = arith.constant 1 : i32
      %swap3A_248 = arith.index_cast %swap3A_247 : i32 to index
      %swap3A_249 = arith.index_cast %scan3A_239 : i32 to index
      %swap3A_250 = arith.constant 16 : index
      %swap3A_251 = tpu.vector_load %arg6[%swap3A_248, %swap3A_249, %swap3A_250] {strides = array<i32>} : memref<2x128x32xf32, #tpu.memory_space<vmem>>, vector<1x1x16xf32>,
      %swap3A_252 = vector.shape_cast %swap3A_251 : vector<1x1x16xf32> to vector<16xf32>
      %swap3A_253 = vector.shape_cast %broadcast_in_dim3A_1 : vector<16xf32> to vector<1x1x16xf32>
      tpu.vector_store %arg6[%swap3A_248, %swap3A_249, %swap3A_250], %swap3A_253 {strides = array<i32>} : memref<2x128x32xf32, #tpu.memory_space<vmem>>, vector<1x1x16xf32>,
    }
    %scan3A_31 = arith.constant 128 : i32
    %scan3A_32 = arith.constant 0 : i32
    %scan3A_33 = arith.constant 0 : i32
    %scan3A_34 = arith.constant 200 : i32
    %scan3A_35 = arith.addi %scan3A_33, %scan3A_34 : i32
    %scan3A_36 = arith.constant 1 : i32
    scf.for %scan3A_128 = %scan3A_33 to %scan3A_35 step %scan3A_36  : i32 {
      %dma_start3A = arith.constant 1 : i32
      %dma_start3A_129 = arith.constant 1 : i32
      %dma_start3A_130 = arith.constant 0 : i32
      %dma_start3A_131 = arith.constant 0 : i32
      %dma_start3A_132 = tpu.memref_slice %arg6[%dma_start3A_129, %dma_start3A_130, %dma_start3A_131] : memref<2x128x32xf32, #tpu.memory_space<vmem>> -> memref<1x128x32xf32, #tpu.memory_space<vmem>>
      %dma_start3A_133 = tpu.memref_squeeze %dma_start3A_132 : memref<1x128x32xf32, #tpu.memory_space<vmem>> -> memref<128x32xf32, #tpu.memory_space<vmem>>
      %dma_start3A_134 = arith.constant 0 : i32
      %dma_start3A_135 = tpu.memref_slice %arg5[%dma_start3A, %scan3A_128, %dma_start3A_134] : memref<2x200x128xi32, #tpu.memory_space<vmem>> -> memref<1x1x128xi32, #tpu.memory_space<vmem>>
      %dma_start3A_136 = tpu.memref_squeeze %dma_start3A_135 : memref<1x1x128xi32, #tpu.memory_space<vmem>> -> memref<128xi32, #tpu.memory_space<vmem>>
      %dma_start3A_137 = arith.constant 0 : i32
      %dma_start3A_138 = arith.constant 0 : i32
      %dma_start3A_139 = tpu.memref_slice %arg3[%dma_start3A_137, %dma_start3A_138] : memref<1000000x32xf32, #tpu.memory_space<hbm>> -> memref<1000000x32xf32, #tpu.memory_space<hbm>>
      tpu.enqueue_indirect_dma source(%dma_start3A_139 : memref<1000000x32xf32, #tpu.memory_space<hbm>>) target(%dma_start3A_133 : memref<128x32xf32, #tpu.memory_space<vmem>>) offsets(%dma_start3A_136 : memref<128xi32, #tpu.memory_space<vmem>>) semaphore(%arg8 : memref<!tpu.dma_semaphore, #tpu.memory_space<semaphore_mem>>) {add = true}
    }
    %scan3A_37 = arith.constant 200 : i32
    %scan3A_38 = arith.constant 0 : i32
    %scan3A_39 = arith.constant 0 : i32
    %scan3A_40 = arith.constant 200 : i32
    %scan3A_41 = arith.addi %scan3A_39, %scan3A_40 : i32
    %scan3A_42 = arith.constant 1 : i32
    scf.for %scan3A_128 = %scan3A_39 to %scan3A_41 step %scan3A_42  : i32 {
      %dma_wait3A = arith.constant 0 : i32
      %dma_wait3A_129 = arith.constant 0 : i32
      %dma_wait3A_130 = arith.constant 0 : i32
      %dma_wait3A_131 = arith.constant 0 : i32
      %dma_wait3A_132 = arith.constant 0 : i32
      %dma_wait3A_133 = tpu.memref_slice %arg6[%dma_wait3A_130, %dma_wait3A_131, %dma_wait3A_132] : memref<2x128x32xf32, #tpu.memory_space<vmem>> -> memref<1x128x32xf32, #tpu.memory_space<vmem>>
      %dma_wait3A_134 = tpu.memref_squeeze %dma_wait3A_133 : memref<1x128x32xf32, #tpu.memory_space<vmem>> -> memref<128x32xf32, #tpu.memory_space<vmem>>
      %dma_wait3A_135 = arith.constant 0 : i32
      %dma_wait3A_136 = tpu.memref_slice %arg5[%dma_wait3A, %dma_wait3A_129, %dma_wait3A_135] : memref<2x200x128xi32, #tpu.memory_space<vmem>> -> memref<1x1x128xi32, #tpu.memory_space<vmem>>
      %dma_wait3A_137 = tpu.memref_squeeze %dma_wait3A_136 : memref<1x1x128xi32, #tpu.memory_space<vmem>> -> memref<128xi32, #tpu.memory_space<vmem>>
      %dma_wait3A_138 = arith.constant 0 : i32
      %dma_wait3A_139 = arith.constant 0 : i32
      %dma_wait3A_140 = tpu.memref_slice %arg3[%dma_wait3A_138, %dma_wait3A_139] : memref<1000000x32xf32, #tpu.memory_space<hbm>> -> memref<1000000x32xf32, #tpu.memory_space<hbm>>
      tpu.wait_indirect_dma semaphore(%arg7 : memref<!tpu.dma_semaphore, #tpu.memory_space<semaphore_mem>>) src(%dma_wait3A_140 : memref<1000000x32xf32, #tpu.memory_space<hbm>>) dst(%dma_wait3A_134 : memref<128x32xf32, #tpu.memory_space<vmem>>)
    }
    %scan3A_43 = arith.constant 200 : i32
    %mul3A_44 = arith.constant 4 : i32
    %mul3A_45 = arith.muli %add3A, %mul3A_44 : i32
    %add3A_46 = arith.constant 0 : i32
    %add3A_47 = arith.addi %mul3A_45, %add3A_46 : i32
    %mul3A_48 = arith.constant 128 : i32
    %mul3A_49 = arith.muli %add3A_47, %mul3A_48 : i32
    %run_scoped3A_50 = arith.constant 0 : i32
    "tpu.region"() ({
      %run_scoped3A_128 = tpu.sem_alloc : memref<!tpu.dma_semaphore, #tpu.memory_space<semaphore_mem>>
      %dma_start3A = arith.constant 0 : i32
      %dma_start3A_129 = arith.constant 0 : i32
      %dma_start3A_130 = tpu.memref_slice %arg6[%run_scoped3A_50, %dma_start3A, %dma_start3A_129] : memref<2x128x32xf32, #tpu.memory_space<vmem>> -> memref<1x128x32xf32, #tpu.memory_space<vmem>>
      %dma_start3A_131 = tpu.memref_squeeze %dma_start3A_130 : memref<1x128x32xf32, #tpu.memory_space<vmem>> -> memref<128x32xf32, #tpu.memory_space<vmem>>
      %dma_start3A_132 = arith.constant 0 : i32
      %dma_start3A_133 = tpu.memref_slice %arg4[%mul3A_49, %dma_start3A_132] : memref<16384x32xf32, #tpu.memory_space<hbm>> -> memref<128x32xf32, #tpu.memory_space<hbm>>
      %dma_start3A_134 = arith.constant 0 : i32
      %dma_start3A_135 = tpu.memref_slice %arg4[%mul3A_49, %dma_start3A_134] : memref<16384x32xf32, #tpu.memory_space<hbm>> -> memref<128x32xf32, #tpu.memory_space<hbm>>
      %dma_start3A_136 = arith.constant 0 : i32
      %dma_start3A_137 = arith.constant 0 : i32
      %dma_start3A_138 = tpu.memref_slice %arg6[%run_scoped3A_50, %dma_start3A_136, %dma_start3A_137] : memref<2x128x32xf32, #tpu.memory_space<vmem>> -> memref<1x128x32xf32, #tpu.memory_space<vmem>>
      %dma_start3A_139 = tpu.memref_squeeze %dma_start3A_138 : memref<1x128x32xf32, #tpu.memory_space<vmem>> -> memref<128x32xf32, #tpu.memory_space<vmem>>
      tpu.enqueue_dma source(%dma_start3A_139 : memref<128x32xf32, #tpu.memory_space<vmem>>) target(%dma_start3A_135 : memref<128x32xf32, #tpu.memory_space<hbm>>) target_semaphore(%run_scoped3A_128 : memref<!tpu.dma_semaphore, #tpu.memory_space<semaphore_mem>>)
      %dma_wait3A = arith.constant 0 : i32
      %dma_wait3A_140 = arith.constant 0 : i32
      %dma_wait3A_141 = tpu.memref_slice %arg6[%run_scoped3A_50, %dma_wait3A, %dma_wait3A_140] : memref<2x128x32xf32, #tpu.memory_space<vmem>> -> memref<1x128x32xf32, #tpu.memory_space<vmem>>
      %dma_wait3A_142 = tpu.memref_squeeze %dma_wait3A_141 : memref<1x128x32xf32, #tpu.memory_space<vmem>> -> memref<128x32xf32, #tpu.memory_space<vmem>>
      %dma_wait3A_143 = arith.constant 0 : i32
      %dma_wait3A_144 = tpu.memref_slice %arg4[%mul3A_49, %dma_wait3A_143] : memref<16384x32xf32, #tpu.memory_space<hbm>> -> memref<128x32xf32, #tpu.memory_space<hbm>>
      %dma_wait3A_145 = arith.constant 0 : i32
      %dma_wait3A_146 = tpu.memref_slice %arg4[%mul3A_49, %dma_wait3A_145] : memref<16384x32xf32, #tpu.memory_space<hbm>> -> memref<128x32xf32, #tpu.memory_space<hbm>>
      %dma_wait3A_147 = arith.constant 0 : i32
      %dma_wait3A_148 = arith.constant 0 : i32
      %dma_wait3A_149 = tpu.memref_slice %arg6[%run_scoped3A_50, %dma_wait3A_147, %dma_wait3A_148] : memref<2x128x32xf32, #tpu.memory_space<vmem>> -> memref<1x128x32xf32, #tpu.memory_space<vmem>>
      %dma_wait3A_150 = tpu.memref_squeeze %dma_wait3A_149 : memref<1x128x32xf32, #tpu.memory_space<vmem>> -> memref<128x32xf32, #tpu.memory_space<vmem>>
      tpu.wait_dma2 semaphore(%run_scoped3A_128 : memref<!tpu.dma_semaphore, #tpu.memory_space<semaphore_mem>>) src(%dma_wait3A_150 : memref<128x32xf32, #tpu.memory_space<vmem>>) dst(%dma_wait3A_146 : memref<128x32xf32, #tpu.memory_space<hbm>>)
      tpu.yield
    }) : () -> ()
    %mul3A_51 = arith.constant 4 : i32
    %mul3A_52 = arith.muli %add3A, %mul3A_51 : i32
    %add3A_53 = arith.constant 2 : i32
    %add3A_54 = arith.addi %mul3A_52, %add3A_53 : i32
    %mul3A_55 = arith.constant 200 : i32
    %mul3A_56 = arith.muli %add3A_54, %mul3A_55 : i32
    %run_scoped3A_57 = arith.constant 0 : i32
    "tpu.region"() ({
      %run_scoped3A_128 = tpu.sem_alloc : memref<!tpu.dma_semaphore, #tpu.memory_space<semaphore_mem>>
      %dma_start3A = arith.constant 0 : i32
      %dma_start3A_129 = arith.constant 0 : i32
      %dma_start3A_130 = tpu.memref_slice %arg5[%run_scoped3A_57, %dma_start3A, %dma_start3A_129] : memref<2x200x128xi32, #tpu.memory_space<vmem>> -> memref<1x200x128xi32, #tpu.memory_space<vmem>>
      %dma_start3A_131 = tpu.memref_squeeze %dma_start3A_130 : memref<1x200x128xi32, #tpu.memory_space<vmem>> -> memref<200x128xi32, #tpu.memory_space<vmem>>
      %dma_start3A_132 = arith.constant 0 : i32
      %dma_start3A_133 = tpu.memref_slice %arg2[%mul3A_56, %dma_start3A_132] : memref<25600x128xi32, #tpu.memory_space<hbm>> -> memref<200x128xi32, #tpu.memory_space<hbm>>
      %dma_start3A_134 = arith.constant 0 : i32
      %dma_start3A_135 = arith.constant 0 : i32
      %dma_start3A_136 = tpu.memref_slice %arg5[%run_scoped3A_57, %dma_start3A_134, %dma_start3A_135] : memref<2x200x128xi32, #tpu.memory_space<vmem>> -> memref<1x200x128xi32, #tpu.memory_space<vmem>>
      %dma_start3A_137 = tpu.memref_squeeze %dma_start3A_136 : memref<1x200x128xi32, #tpu.memory_space<vmem>> -> memref<200x128xi32, #tpu.memory_space<vmem>>
      %dma_start3A_138 = arith.constant 0 : i32
      %dma_start3A_139 = tpu.memref_slice %arg2[%mul3A_56, %dma_start3A_138] : memref<25600x128xi32, #tpu.memory_space<hbm>> -> memref<200x128xi32, #tpu.memory_space<hbm>>
      tpu.enqueue_dma source(%dma_start3A_139 : memref<200x128xi32, #tpu.memory_space<hbm>>) target(%dma_start3A_137 : memref<200x128xi32, #tpu.memory_space<vmem>>) target_semaphore(%run_scoped3A_128 : memref<!tpu.dma_semaphore, #tpu.memory_space<semaphore_mem>>)
      %dma_wait3A = arith.constant 0 : i32
      %dma_wait3A_140 = arith.constant 0 : i32
      %dma_wait3A_141 = tpu.memref_slice %arg5[%run_scoped3A_57, %dma_wait3A, %dma_wait3A_140] : memref<2x200x128xi32, #tpu.memory_space<vmem>> -> memref<1x200x128xi32, #tpu.memory_space<vmem>>
      %dma_wait3A_142 = tpu.memref_squeeze %dma_wait3A_141 : memref<1x200x128xi32, #tpu.memory_space<vmem>> -> memref<200x128xi32, #tpu.memory_space<vmem>>
      %dma_wait3A_143 = arith.constant 0 : i32
      %dma_wait3A_144 = tpu.memref_slice %arg2[%mul3A_56, %dma_wait3A_143] : memref<25600x128xi32, #tpu.memory_space<hbm>> -> memref<200x128xi32, #tpu.memory_space<hbm>>
      %dma_wait3A_145 = arith.constant 0 : i32
      %dma_wait3A_146 = arith.constant 0 : i32
      %dma_wait3A_147 = tpu.memref_slice %arg5[%run_scoped3A_57, %dma_wait3A_145, %dma_wait3A_146] : memref<2x200x128xi32, #tpu.memory_space<vmem>> -> memref<1x200x128xi32, #tpu.memory_space<vmem>>
      %dma_wait3A_148 = tpu.memref_squeeze %dma_wait3A_147 : memref<1x200x128xi32, #tpu.memory_space<vmem>> -> memref<200x128xi32, #tpu.memory_space<vmem>>
      %dma_wait3A_149 = arith.constant 0 : i32
      %dma_wait3A_150 = tpu.memref_slice %arg2[%mul3A_56, %dma_wait3A_149] : memref<25600x128xi32, #tpu.memory_space<hbm>> -> memref<200x128xi32, #tpu.memory_space<hbm>>
      tpu.wait_dma2 semaphore(%run_scoped3A_128 : memref<!tpu.dma_semaphore, #tpu.memory_space<semaphore_mem>>) src(%dma_wait3A_150 : memref<200x128xi32, #tpu.memory_space<hbm>>) dst(%dma_wait3A_148 : memref<200x128xi32, #tpu.memory_space<vmem>>)
      tpu.yield
    }) : () -> ()
    %scan3A_58 = arith.constant 0 : i32
    %scan3A_59 = arith.constant 0 : i32
    %scan3A_60 = arith.constant 128 : i32
    %scan3A_61 = arith.addi %scan3A_59, %scan3A_60 : i32
    %scan3A_62 = arith.constant 8 : i32
    scf.for %scan3A_128 = %scan3A_59 to %scan3A_61 step %scan3A_62  : i32 {
      %swap3A = arith.constant 0 : i32
      %swap3A_129 = arith.index_cast %swap3A : i32 to index
      %swap3A_130 = arith.index_cast %scan3A_128 : i32 to index
      %swap3A_131 = arith.constant 0 : index
      %swap3A_132 = tpu.vector_load %arg6[%swap3A_129, %swap3A_130, %swap3A_131] {strides = array<i32>} : memref<2x128x32xf32, #tpu.memory_space<vmem>>, vector<1x1x16xf32>,
      %swap3A_133 = vector.shape_cast %swap3A_132 : vector<1x1x16xf32> to vector<16xf32>
      %swap3A_134 = vector.shape_cast %broadcast_in_dim3A_1 : vector<16xf32> to vector<1x1x16xf32>
      tpu.vector_store %arg6[%swap3A_129, %swap3A_130, %swap3A_131], %swap3A_134 {strides = array<i32>} : memref<2x128x32xf32, #tpu.memory_space<vmem>>, vector<1x1x16xf32>,
      %swap3A_135 = arith.constant 0 : i32
      %swap3A_136 = arith.index_cast %swap3A_135 : i32 to index
      %swap3A_137 = arith.index_cast %scan3A_128 : i32 to index
      %swap3A_138 = arith.constant 16 : index
      %swap3A_139 = tpu.vector_load %arg6[%swap3A_136, %swap3A_137, %swap3A_138] {strides = array<i32>} : memref<2x128x32xf32, #tpu.memory_space<vmem>>, vector<1x1x16xf32>,
      %swap3A_140 = vector.shape_cast %swap3A_139 : vector<1x1x16xf32> to vector<16xf32>
      %swap3A_141 = vector.shape_cast %broadcast_in_dim3A_1 : vector<16xf32> to vector<1x1x16xf32>
      tpu.vector_store %arg6[%swap3A_136, %swap3A_137, %swap3A_138], %swap3A_141 {strides = array<i32>} : memref<2x128x32xf32, #tpu.memory_space<vmem>>, vector<1x1x16xf32>,
      %scan3A_142 = arith.constant 1 : i32
      %scan3A_143 = arith.addi %scan3A_128, %scan3A_142 : i32
      %swap3A_144 = arith.constant 0 : i32
      %swap3A_145 = arith.index_cast %swap3A_144 : i32 to index
      %swap3A_146 = arith.index_cast %scan3A_143 : i32 to index
      %swap3A_147 = arith.constant 0 : index
      %swap3A_148 = tpu.vector_load %arg6[%swap3A_145, %swap3A_146, %swap3A_147] {strides = array<i32>} : memref<2x128x32xf32, #tpu.memory_space<vmem>>, vector<1x1x16xf32>,
      %swap3A_149 = vector.shape_cast %swap3A_148 : vector<1x1x16xf32> to vector<16xf32>
      %swap3A_150 = vector.shape_cast %broadcast_in_dim3A_1 : vector<16xf32> to vector<1x1x16xf32>
      tpu.vector_store %arg6[%swap3A_145, %swap3A_146, %swap3A_147], %swap3A_150 {strides = array<i32>} : memref<2x128x32xf32, #tpu.memory_space<vmem>>, vector<1x1x16xf32>,
      %swap3A_151 = arith.constant 0 : i32
      %swap3A_152 = arith.index_cast %swap3A_151 : i32 to index
      %swap3A_153 = arith.index_cast %scan3A_143 : i32 to index
      %swap3A_154 = arith.constant 16 : index
      %swap3A_155 = tpu.vector_load %arg6[%swap3A_152, %swap3A_153, %swap3A_154] {strides = array<i32>} : memref<2x128x32xf32, #tpu.memory_space<vmem>>, vector<1x1x16xf32>,
      %swap3A_156 = vector.shape_cast %swap3A_155 : vector<1x1x16xf32> to vector<16xf32>
      %swap3A_157 = vector.shape_cast %broadcast_in_dim3A_1 : vector<16xf32> to vector<1x1x16xf32>
      tpu.vector_store %arg6[%swap3A_152, %swap3A_153, %swap3A_154], %swap3A_157 {strides = array<i32>} : memref<2x128x32xf32, #tpu.memory_space<vmem>>, vector<1x1x16xf32>,
      %scan3A_158 = arith.constant 2 : i32
      %scan3A_159 = arith.addi %scan3A_128, %scan3A_158 : i32
      %swap3A_160 = arith.constant 0 : i32
      %swap3A_161 = arith.index_cast %swap3A_160 : i32 to index
      %swap3A_162 = arith.index_cast %scan3A_159 : i32 to index
      %swap3A_163 = arith.constant 0 : index
      %swap3A_164 = tpu.vector_load %arg6[%swap3A_161, %swap3A_162, %swap3A_163] {strides = array<i32>} : memref<2x128x32xf32, #tpu.memory_space<vmem>>, vector<1x1x16xf32>,
      %swap3A_165 = vector.shape_cast %swap3A_164 : vector<1x1x16xf32> to vector<16xf32>
      %swap3A_166 = vector.shape_cast %broadcast_in_dim3A_1 : vector<16xf32> to vector<1x1x16xf32>
      tpu.vector_store %arg6[%swap3A_161, %swap3A_162, %swap3A_163], %swap3A_166 {strides = array<i32>} : memref<2x128x32xf32, #tpu.memory_space<vmem>>, vector<1x1x16xf32>,
      %swap3A_167 = arith.constant 0 : i32
      %swap3A_168 = arith.index_cast %swap3A_167 : i32 to index
      %swap3A_169 = arith.index_cast %scan3A_159 : i32 to index
      %swap3A_170 = arith.constant 16 : index
      %swap3A_171 = tpu.vector_load %arg6[%swap3A_168, %swap3A_169, %swap3A_170] {strides = array<i32>} : memref<2x128x32xf32, #tpu.memory_space<vmem>>, vector<1x1x16xf32>,
      %swap3A_172 = vector.shape_cast %swap3A_171 : vector<1x1x16xf32> to vector<16xf32>
      %swap3A_173 = vector.shape_cast %broadcast_in_dim3A_1 : vector<16xf32> to vector<1x1x16xf32>
      tpu.vector_store %arg6[%swap3A_168, %swap3A_169, %swap3A_170], %swap3A_173 {strides = array<i32>} : memref<2x128x32xf32, #tpu.memory_space<vmem>>, vector<1x1x16xf32>,
      %scan3A_174 = arith.constant 3 : i32
      %scan3A_175 = arith.addi %scan3A_128, %scan3A_174 : i32
      %swap3A_176 = arith.constant 0 : i32
      %swap3A_177 = arith.index_cast %swap3A_176 : i32 to index
      %swap3A_178 = arith.index_cast %scan3A_175 : i32 to index
      %swap3A_179 = arith.constant 0 : index
      %swap3A_180 = tpu.vector_load %arg6[%swap3A_177, %swap3A_178, %swap3A_179] {strides = array<i32>} : memref<2x128x32xf32, #tpu.memory_space<vmem>>, vector<1x1x16xf32>,
      %swap3A_181 = vector.shape_cast %swap3A_180 : vector<1x1x16xf32> to vector<16xf32>
      %swap3A_182 = vector.shape_cast %broadcast_in_dim3A_1 : vector<16xf32> to vector<1x1x16xf32>
      tpu.vector_store %arg6[%swap3A_177, %swap3A_178, %swap3A_179], %swap3A_182 {strides = array<i32>} : memref<2x128x32xf32, #tpu.memory_space<vmem>>, vector<1x1x16xf32>,
      %swap3A_183 = arith.constant 0 : i32
      %swap3A_184 = arith.index_cast %swap3A_183 : i32 to index
      %swap3A_185 = arith.index_cast %scan3A_175 : i32 to index
      %swap3A_186 = arith.constant 16 : index
      %swap3A_187 = tpu.vector_load %arg6[%swap3A_184, %swap3A_185, %swap3A_186] {strides = array<i32>} : memref<2x128x32xf32, #tpu.memory_space<vmem>>, vector<1x1x16xf32>,
      %swap3A_188 = vector.shape_cast %swap3A_187 : vector<1x1x16xf32> to vector<16xf32>
      %swap3A_189 = vector.shape_cast %broadcast_in_dim3A_1 : vector<16xf32> to vector<1x1x16xf32>
      tpu.vector_store %arg6[%swap3A_184, %swap3A_185, %swap3A_186], %swap3A_189 {strides = array<i32>} : memref<2x128x32xf32, #tpu.memory_space<vmem>>, vector<1x1x16xf32>,
      %scan3A_190 = arith.constant 4 : i32
      %scan3A_191 = arith.addi %scan3A_128, %scan3A_190 : i32
      %swap3A_192 = arith.constant 0 : i32
      %swap3A_193 = arith.index_cast %swap3A_192 : i32 to index
      %swap3A_194 = arith.index_cast %scan3A_191 : i32 to index
      %swap3A_195 = arith.constant 0 : index
      %swap3A_196 = tpu.vector_load %arg6[%swap3A_193, %swap3A_194, %swap3A_195] {strides = array<i32>} : memref<2x128x32xf32, #tpu.memory_space<vmem>>, vector<1x1x16xf32>,
      %swap3A_197 = vector.shape_cast %swap3A_196 : vector<1x1x16xf32> to vector<16xf32>
      %swap3A_198 = vector.shape_cast %broadcast_in_dim3A_1 : vector<16xf32> to vector<1x1x16xf32>
      tpu.vector_store %arg6[%swap3A_193, %swap3A_194, %swap3A_195], %swap3A_198 {strides = array<i32>} : memref<2x128x32xf32, #tpu.memory_space<vmem>>, vector<1x1x16xf32>,
      %swap3A_199 = arith.constant 0 : i32
      %swap3A_200 = arith.index_cast %swap3A_199 : i32 to index
      %swap3A_201 = arith.index_cast %scan3A_191 : i32 to index
      %swap3A_202 = arith.constant 16 : index
      %swap3A_203 = tpu.vector_load %arg6[%swap3A_200, %swap3A_201, %swap3A_202] {strides = array<i32>} : memref<2x128x32xf32, #tpu.memory_space<vmem>>, vector<1x1x16xf32>,
      %swap3A_204 = vector.shape_cast %swap3A_203 : vector<1x1x16xf32> to vector<16xf32>
      %swap3A_205 = vector.shape_cast %broadcast_in_dim3A_1 : vector<16xf32> to vector<1x1x16xf32>
      tpu.vector_store %arg6[%swap3A_200, %swap3A_201, %swap3A_202], %swap3A_205 {strides = array<i32>} : memref<2x128x32xf32, #tpu.memory_space<vmem>>, vector<1x1x16xf32>,
      %scan3A_206 = arith.constant 5 : i32
      %scan3A_207 = arith.addi %scan3A_128, %scan3A_206 : i32
      %swap3A_208 = arith.constant 0 : i32
      %swap3A_209 = arith.index_cast %swap3A_208 : i32 to index
      %swap3A_210 = arith.index_cast %scan3A_207 : i32 to index
      %swap3A_211 = arith.constant 0 : index
      %swap3A_212 = tpu.vector_load %arg6[%swap3A_209, %swap3A_210, %swap3A_211] {strides = array<i32>} : memref<2x128x32xf32, #tpu.memory_space<vmem>>, vector<1x1x16xf32>,
      %swap3A_213 = vector.shape_cast %swap3A_212 : vector<1x1x16xf32> to vector<16xf32>
      %swap3A_214 = vector.shape_cast %broadcast_in_dim3A_1 : vector<16xf32> to vector<1x1x16xf32>
      tpu.vector_store %arg6[%swap3A_209, %swap3A_210, %swap3A_211], %swap3A_214 {strides = array<i32>} : memref<2x128x32xf32, #tpu.memory_space<vmem>>, vector<1x1x16xf32>,
      %swap3A_215 = arith.constant 0 : i32
      %swap3A_216 = arith.index_cast %swap3A_215 : i32 to index
      %swap3A_217 = arith.index_cast %scan3A_207 : i32 to index
      %swap3A_218 = arith.constant 16 : index
      %swap3A_219 = tpu.vector_load %arg6[%swap3A_216, %swap3A_217, %swap3A_218] {strides = array<i32>} : memref<2x128x32xf32, #tpu.memory_space<vmem>>, vector<1x1x16xf32>,
      %swap3A_220 = vector.shape_cast %swap3A_219 : vector<1x1x16xf32> to vector<16xf32>
      %swap3A_221 = vector.shape_cast %broadcast_in_dim3A_1 : vector<16xf32> to vector<1x1x16xf32>
      tpu.vector_store %arg6[%swap3A_216, %swap3A_217, %swap3A_218], %swap3A_221 {strides = array<i32>} : memref<2x128x32xf32, #tpu.memory_space<vmem>>, vector<1x1x16xf32>,
      %scan3A_222 = arith.constant 6 : i32
      %scan3A_223 = arith.addi %scan3A_128, %scan3A_222 : i32
      %swap3A_224 = arith.constant 0 : i32
      %swap3A_225 = arith.index_cast %swap3A_224 : i32 to index
      %swap3A_226 = arith.index_cast %scan3A_223 : i32 to index
      %swap3A_227 = arith.constant 0 : index
      %swap3A_228 = tpu.vector_load %arg6[%swap3A_225, %swap3A_226, %swap3A_227] {strides = array<i32>} : memref<2x128x32xf32, #tpu.memory_space<vmem>>, vector<1x1x16xf32>,
      %swap3A_229 = vector.shape_cast %swap3A_228 : vector<1x1x16xf32> to vector<16xf32>
      %swap3A_230 = vector.shape_cast %broadcast_in_dim3A_1 : vector<16xf32> to vector<1x1x16xf32>
      tpu.vector_store %arg6[%swap3A_225, %swap3A_226, %swap3A_227], %swap3A_230 {strides = array<i32>} : memref<2x128x32xf32, #tpu.memory_space<vmem>>, vector<1x1x16xf32>,
      %swap3A_231 = arith.constant 0 : i32
      %swap3A_232 = arith.index_cast %swap3A_231 : i32 to index
      %swap3A_233 = arith.index_cast %scan3A_223 : i32 to index
      %swap3A_234 = arith.constant 16 : index
      %swap3A_235 = tpu.vector_load %arg6[%swap3A_232, %swap3A_233, %swap3A_234] {strides = array<i32>} : memref<2x128x32xf32, #tpu.memory_space<vmem>>, vector<1x1x16xf32>,
      %swap3A_236 = vector.shape_cast %swap3A_235 : vector<1x1x16xf32> to vector<16xf32>
      %swap3A_237 = vector.shape_cast %broadcast_in_dim3A_1 : vector<16xf32> to vector<1x1x16xf32>
      tpu.vector_store %arg6[%swap3A_232, %swap3A_233, %swap3A_234], %swap3A_237 {strides = array<i32>} : memref<2x128x32xf32, #tpu.memory_space<vmem>>, vector<1x1x16xf32>,
      %scan3A_238 = arith.constant 7 : i32
      %scan3A_239 = arith.addi %scan3A_128, %scan3A_238 : i32
      %swap3A_240 = arith.constant 0 : i32
      %swap3A_241 = arith.index_cast %swap3A_240 : i32 to index
      %swap3A_242 = arith.index_cast %scan3A_239 : i32 to index
      %swap3A_243 = arith.constant 0 : index
      %swap3A_244 = tpu.vector_load %arg6[%swap3A_241, %swap3A_242, %swap3A_243] {strides = array<i32>} : memref<2x128x32xf32, #tpu.memory_space<vmem>>, vector<1x1x16xf32>,
      %swap3A_245 = vector.shape_cast %swap3A_244 : vector<1x1x16xf32> to vector<16xf32>
      %swap3A_246 = vector.shape_cast %broadcast_in_dim3A_1 : vector<16xf32> to vector<1x1x16xf32>
      tpu.vector_store %arg6[%swap3A_241, %swap3A_242, %swap3A_243], %swap3A_246 {strides = array<i32>} : memref<2x128x32xf32, #tpu.memory_space<vmem>>, vector<1x1x16xf32>,
      %swap3A_247 = arith.constant 0 : i32
      %swap3A_248 = arith.index_cast %swap3A_247 : i32 to index
      %swap3A_249 = arith.index_cast %scan3A_239 : i32 to index
      %swap3A_250 = arith.constant 16 : index
      %swap3A_251 = tpu.vector_load %arg6[%swap3A_248, %swap3A_249, %swap3A_250] {strides = array<i32>} : memref<2x128x32xf32, #tpu.memory_space<vmem>>, vector<1x1x16xf32>,
      %swap3A_252 = vector.shape_cast %swap3A_251 : vector<1x1x16xf32> to vector<16xf32>
      %swap3A_253 = vector.shape_cast %broadcast_in_dim3A_1 : vector<16xf32> to vector<1x1x16xf32>
      tpu.vector_store %arg6[%swap3A_248, %swap3A_249, %swap3A_250], %swap3A_253 {strides = array<i32>} : memref<2x128x32xf32, #tpu.memory_space<vmem>>, vector<1x1x16xf32>,
    }
    %scan3A_63 = arith.constant 128 : i32
    %scan3A_64 = arith.constant 0 : i32
    %scan3A_65 = arith.constant 0 : i32
    %scan3A_66 = arith.constant 200 : i32
    %scan3A_67 = arith.addi %scan3A_65, %scan3A_66 : i32
    %scan3A_68 = arith.constant 1 : i32
    scf.for %scan3A_128 = %scan3A_65 to %scan3A_67 step %scan3A_68  : i32 {
      %dma_start3A = arith.constant 0 : i32
      %dma_start3A_129 = arith.constant 0 : i32
      %dma_start3A_130 = arith.constant 0 : i32
      %dma_start3A_131 = arith.constant 0 : i32
      %dma_start3A_132 = tpu.memref_slice %arg6[%dma_start3A_129, %dma_start3A_130, %dma_start3A_131] : memref<2x128x32xf32, #tpu.memory_space<vmem>> -> memref<1x128x32xf32, #tpu.memory_space<vmem>>
      %dma_start3A_133 = tpu.memref_squeeze %dma_start3A_132 : memref<1x128x32xf32, #tpu.memory_space<vmem>> -> memref<128x32xf32, #tpu.memory_space<vmem>>
      %dma_start3A_134 = arith.constant 0 : i32
      %dma_start3A_135 = tpu.memref_slice %arg5[%dma_start3A, %scan3A_128, %dma_start3A_134] : memref<2x200x128xi32, #tpu.memory_space<vmem>> -> memref<1x1x128xi32, #tpu.memory_space<vmem>>
      %dma_start3A_136 = tpu.memref_squeeze %dma_start3A_135 : memref<1x1x128xi32, #tpu.memory_space<vmem>> -> memref<128xi32, #tpu.memory_space<vmem>>
      %dma_start3A_137 = arith.constant 0 : i32
      %dma_start3A_138 = arith.constant 0 : i32
      %dma_start3A_139 = tpu.memref_slice %arg3[%dma_start3A_137, %dma_start3A_138] : memref<1000000x32xf32, #tpu.memory_space<hbm>> -> memref<1000000x32xf32, #tpu.memory_space<hbm>>
      tpu.enqueue_indirect_dma source(%dma_start3A_139 : memref<1000000x32xf32, #tpu.memory_space<hbm>>) target(%dma_start3A_133 : memref<128x32xf32, #tpu.memory_space<vmem>>) offsets(%dma_start3A_136 : memref<128xi32, #tpu.memory_space<vmem>>) semaphore(%arg7 : memref<!tpu.dma_semaphore, #tpu.memory_space<semaphore_mem>>) {add = true}
    }
    %scan3A_69 = arith.constant 200 : i32
    %scan3A_70 = arith.constant 0 : i32
    %scan3A_71 = arith.constant 0 : i32
    %scan3A_72 = arith.constant 200 : i32
    %scan3A_73 = arith.addi %scan3A_71, %scan3A_72 : i32
    %scan3A_74 = arith.constant 1 : i32
    scf.for %scan3A_128 = %scan3A_71 to %scan3A_73 step %scan3A_74  : i32 {
      %dma_wait3A = arith.constant 1 : i32
      %dma_wait3A_129 = arith.constant 0 : i32
      %dma_wait3A_130 = arith.constant 1 : i32
      %dma_wait3A_131 = arith.constant 0 : i32
      %dma_wait3A_132 = arith.constant 0 : i32
      %dma_wait3A_133 = tpu.memref_slice %arg6[%dma_wait3A_130, %dma_wait3A_131, %dma_wait3A_132] : memref<2x128x32xf32, #tpu.memory_space<vmem>> -> memref<1x128x32xf32, #tpu.memory_space<vmem>>
      %dma_wait3A_134 = tpu.memref_squeeze %dma_wait3A_133 : memref<1x128x32xf32, #tpu.memory_space<vmem>> -> memref<128x32xf32, #tpu.memory_space<vmem>>
      %dma_wait3A_135 = arith.constant 0 : i32
      %dma_wait3A_136 = tpu.memref_slice %arg5[%dma_wait3A, %dma_wait3A_129, %dma_wait3A_135] : memref<2x200x128xi32, #tpu.memory_space<vmem>> -> memref<1x1x128xi32, #tpu.memory_space<vmem>>
      %dma_wait3A_137 = tpu.memref_squeeze %dma_wait3A_136 : memref<1x1x128xi32, #tpu.memory_space<vmem>> -> memref<128xi32, #tpu.memory_space<vmem>>
      %dma_wait3A_138 = arith.constant 0 : i32
      %dma_wait3A_139 = arith.constant 0 : i32
      %dma_wait3A_140 = tpu.memref_slice %arg3[%dma_wait3A_138, %dma_wait3A_139] : memref<1000000x32xf32, #tpu.memory_space<hbm>> -> memref<1000000x32xf32, #tpu.memory_space<hbm>>
      tpu.wait_indirect_dma semaphore(%arg8 : memref<!tpu.dma_semaphore, #tpu.memory_space<semaphore_mem>>) src(%dma_wait3A_140 : memref<1000000x32xf32, #tpu.memory_space<hbm>>) dst(%dma_wait3A_134 : memref<128x32xf32, #tpu.memory_space<vmem>>)
    }
    %scan3A_75 = arith.constant 200 : i32
    %mul3A_76 = arith.constant 4 : i32
    %mul3A_77 = arith.muli %add3A, %mul3A_76 : i32
    %add3A_78 = arith.constant 1 : i32
    %add3A_79 = arith.addi %mul3A_77, %add3A_78 : i32
    %mul3A_80 = arith.constant 128 : i32
    %mul3A_81 = arith.muli %add3A_79, %mul3A_80 : i32
    %run_scoped3A_82 = arith.constant 1 : i32
    "tpu.region"() ({
      %run_scoped3A_128 = tpu.sem_alloc : memref<!tpu.dma_semaphore, #tpu.memory_space<semaphore_mem>>
      %dma_start3A = arith.constant 0 : i32
      %dma_start3A_129 = arith.constant 0 : i32
      %dma_start3A_130 = tpu.memref_slice %arg6[%run_scoped3A_82, %dma_start3A, %dma_start3A_129] : memref<2x128x32xf32, #tpu.memory_space<vmem>> -> memref<1x128x32xf32, #tpu.memory_space<vmem>>
      %dma_start3A_131 = tpu.memref_squeeze %dma_start3A_130 : memref<1x128x32xf32, #tpu.memory_space<vmem>> -> memref<128x32xf32, #tpu.memory_space<vmem>>
      %dma_start3A_132 = arith.constant 0 : i32
      %dma_start3A_133 = tpu.memref_slice %arg4[%mul3A_81, %dma_start3A_132] : memref<16384x32xf32, #tpu.memory_space<hbm>> -> memref<128x32xf32, #tpu.memory_space<hbm>>
      %dma_start3A_134 = arith.constant 0 : i32
      %dma_start3A_135 = tpu.memref_slice %arg4[%mul3A_81, %dma_start3A_134] : memref<16384x32xf32, #tpu.memory_space<hbm>> -> memref<128x32xf32, #tpu.memory_space<hbm>>
      %dma_start3A_136 = arith.constant 0 : i32
      %dma_start3A_137 = arith.constant 0 : i32
      %dma_start3A_138 = tpu.memref_slice %arg6[%run_scoped3A_82, %dma_start3A_136, %dma_start3A_137] : memref<2x128x32xf32, #tpu.memory_space<vmem>> -> memref<1x128x32xf32, #tpu.memory_space<vmem>>
      %dma_start3A_139 = tpu.memref_squeeze %dma_start3A_138 : memref<1x128x32xf32, #tpu.memory_space<vmem>> -> memref<128x32xf32, #tpu.memory_space<vmem>>
      tpu.enqueue_dma source(%dma_start3A_139 : memref<128x32xf32, #tpu.memory_space<vmem>>) target(%dma_start3A_135 : memref<128x32xf32, #tpu.memory_space<hbm>>) target_semaphore(%run_scoped3A_128 : memref<!tpu.dma_semaphore, #tpu.memory_space<semaphore_mem>>)
      %dma_wait3A = arith.constant 0 : i32
      %dma_wait3A_140 = arith.constant 0 : i32
      %dma_wait3A_141 = tpu.memref_slice %arg6[%run_scoped3A_82, %dma_wait3A, %dma_wait3A_140] : memref<2x128x32xf32, #tpu.memory_space<vmem>> -> memref<1x128x32xf32, #tpu.memory_space<vmem>>
      %dma_wait3A_142 = tpu.memref_squeeze %dma_wait3A_141 : memref<1x128x32xf32, #tpu.memory_space<vmem>> -> memref<128x32xf32, #tpu.memory_space<vmem>>
      %dma_wait3A_143 = arith.constant 0 : i32
      %dma_wait3A_144 = tpu.memref_slice %arg4[%mul3A_81, %dma_wait3A_143] : memref<16384x32xf32, #tpu.memory_space<hbm>> -> memref<128x32xf32, #tpu.memory_space<hbm>>
      %dma_wait3A_145 = arith.constant 0 : i32
      %dma_wait3A_146 = tpu.memref_slice %arg4[%mul3A_81, %dma_wait3A_145] : memref<16384x32xf32, #tpu.memory_space<hbm>> -> memref<128x32xf32, #tpu.memory_space<hbm>>
      %dma_wait3A_147 = arith.constant 0 : i32
      %dma_wait3A_148 = arith.constant 0 : i32
      %dma_wait3A_149 = tpu.memref_slice %arg6[%run_scoped3A_82, %dma_wait3A_147, %dma_wait3A_148] : memref<2x128x32xf32, #tpu.memory_space<vmem>> -> memref<1x128x32xf32, #tpu.memory_space<vmem>>
      %dma_wait3A_150 = tpu.memref_squeeze %dma_wait3A_149 : memref<1x128x32xf32, #tpu.memory_space<vmem>> -> memref<128x32xf32, #tpu.memory_space<vmem>>
      tpu.wait_dma2 semaphore(%run_scoped3A_128 : memref<!tpu.dma_semaphore, #tpu.memory_space<semaphore_mem>>) src(%dma_wait3A_150 : memref<128x32xf32, #tpu.memory_space<vmem>>) dst(%dma_wait3A_146 : memref<128x32xf32, #tpu.memory_space<hbm>>)
      tpu.yield
    }) : () -> ()
    %mul3A_83 = arith.constant 4 : i32
    %mul3A_84 = arith.muli %add3A, %mul3A_83 : i32
    %add3A_85 = arith.constant 3 : i32
    %add3A_86 = arith.addi %mul3A_84, %add3A_85 : i32
    %mul3A_87 = arith.constant 200 : i32
    %mul3A_88 = arith.muli %add3A_86, %mul3A_87 : i32
    %run_scoped3A_89 = arith.constant 1 : i32
    "tpu.region"() ({
      %run_scoped3A_128 = tpu.sem_alloc : memref<!tpu.dma_semaphore, #tpu.memory_space<semaphore_mem>>
      %dma_start3A = arith.constant 0 : i32
      %dma_start3A_129 = arith.constant 0 : i32
      %dma_start3A_130 = tpu.memref_slice %arg5[%run_scoped3A_89, %dma_start3A, %dma_start3A_129] : memref<2x200x128xi32, #tpu.memory_space<vmem>> -> memref<1x200x128xi32, #tpu.memory_space<vmem>>
      %dma_start3A_131 = tpu.memref_squeeze %dma_start3A_130 : memref<1x200x128xi32, #tpu.memory_space<vmem>> -> memref<200x128xi32, #tpu.memory_space<vmem>>
      %dma_start3A_132 = arith.constant 0 : i32
      %dma_start3A_133 = tpu.memref_slice %arg2[%mul3A_88, %dma_start3A_132] : memref<25600x128xi32, #tpu.memory_space<hbm>> -> memref<200x128xi32, #tpu.memory_space<hbm>>
      %dma_start3A_134 = arith.constant 0 : i32
      %dma_start3A_135 = arith.constant 0 : i32
      %dma_start3A_136 = tpu.memref_slice %arg5[%run_scoped3A_89, %dma_start3A_134, %dma_start3A_135] : memref<2x200x128xi32, #tpu.memory_space<vmem>> -> memref<1x200x128xi32, #tpu.memory_space<vmem>>
      %dma_start3A_137 = tpu.memref_squeeze %dma_start3A_136 : memref<1x200x128xi32, #tpu.memory_space<vmem>> -> memref<200x128xi32, #tpu.memory_space<vmem>>
      %dma_start3A_138 = arith.constant 0 : i32
      %dma_start3A_139 = tpu.memref_slice %arg2[%mul3A_88, %dma_start3A_138] : memref<25600x128xi32, #tpu.memory_space<hbm>> -> memref<200x128xi32, #tpu.memory_space<hbm>>
      tpu.enqueue_dma source(%dma_start3A_139 : memref<200x128xi32, #tpu.memory_space<hbm>>) target(%dma_start3A_137 : memref<200x128xi32, #tpu.memory_space<vmem>>) target_semaphore(%run_scoped3A_128 : memref<!tpu.dma_semaphore, #tpu.memory_space<semaphore_mem>>)
      %dma_wait3A = arith.constant 0 : i32
      %dma_wait3A_140 = arith.constant 0 : i32
      %dma_wait3A_141 = tpu.memref_slice %arg5[%run_scoped3A_89, %dma_wait3A, %dma_wait3A_140] : memref<2x200x128xi32, #tpu.memory_space<vmem>> -> memref<1x200x128xi32, #tpu.memory_space<vmem>>
      %dma_wait3A_142 = tpu.memref_squeeze %dma_wait3A_141 : memref<1x200x128xi32, #tpu.memory_space<vmem>> -> memref<200x128xi32, #tpu.memory_space<vmem>>
      %dma_wait3A_143 = arith.constant 0 : i32
      %dma_wait3A_144 = tpu.memref_slice %arg2[%mul3A_88, %dma_wait3A_143] : memref<25600x128xi32, #tpu.memory_space<hbm>> -> memref<200x128xi32, #tpu.memory_space<hbm>>
      %dma_wait3A_145 = arith.constant 0 : i32
      %dma_wait3A_146 = arith.constant 0 : i32
      %dma_wait3A_147 = tpu.memref_slice %arg5[%run_scoped3A_89, %dma_wait3A_145, %dma_wait3A_146] : memref<2x200x128xi32, #tpu.memory_space<vmem>> -> memref<1x200x128xi32, #tpu.memory_space<vmem>>
      %dma_wait3A_148 = tpu.memref_squeeze %dma_wait3A_147 : memref<1x200x128xi32, #tpu.memory_space<vmem>> -> memref<200x128xi32, #tpu.memory_space<vmem>>
      %dma_wait3A_149 = arith.constant 0 : i32
      %dma_wait3A_150 = tpu.memref_slice %arg2[%mul3A_88, %dma_wait3A_149] : memref<25600x128xi32, #tpu.memory_space<hbm>> -> memref<200x128xi32, #tpu.memory_space<hbm>>
      tpu.wait_dma2 semaphore(%run_scoped3A_128 : memref<!tpu.dma_semaphore, #tpu.memory_space<semaphore_mem>>) src(%dma_wait3A_150 : memref<200x128xi32, #tpu.memory_space<hbm>>) dst(%dma_wait3A_148 : memref<200x128xi32, #tpu.memory_space<vmem>>)
      tpu.yield
    }) : () -> ()
    %scan3A_90 = arith.constant 0 : i32
    %scan3A_91 = arith.constant 0 : i32
    %scan3A_92 = arith.constant 128 : i32
    %scan3A_93 = arith.addi %scan3A_91, %scan3A_92 : i32
    %scan3A_94 = arith.constant 8 : i32
    scf.for %scan3A_128 = %scan3A_91 to %scan3A_93 step %scan3A_94  : i32 {
      %swap3A = arith.constant 1 : i32
      %swap3A_129 = arith.index_cast %swap3A : i32 to index
      %swap3A_130 = arith.index_cast %scan3A_128 : i32 to index
      %swap3A_131 = arith.constant 0 : index
      %swap3A_132 = tpu.vector_load %arg6[%swap3A_129, %swap3A_130, %swap3A_131] {strides = array<i32>} : memref<2x128x32xf32, #tpu.memory_space<vmem>>, vector<1x1x16xf32>,
      %swap3A_133 = vector.shape_cast %swap3A_132 : vector<1x1x16xf32> to vector<16xf32>
      %swap3A_134 = vector.shape_cast %broadcast_in_dim3A_1 : vector<16xf32> to vector<1x1x16xf32>
      tpu.vector_store %arg6[%swap3A_129, %swap3A_130, %swap3A_131], %swap3A_134 {strides = array<i32>} : memref<2x128x32xf32, #tpu.memory_space<vmem>>, vector<1x1x16xf32>,
      %swap3A_135 = arith.constant 1 : i32
      %swap3A_136 = arith.index_cast %swap3A_135 : i32 to index
      %swap3A_137 = arith.index_cast %scan3A_128 : i32 to index
      %swap3A_138 = arith.constant 16 : index
      %swap3A_139 = tpu.vector_load %arg6[%swap3A_136, %swap3A_137, %swap3A_138] {strides = array<i32>} : memref<2x128x32xf32, #tpu.memory_space<vmem>>, vector<1x1x16xf32>,
      %swap3A_140 = vector.shape_cast %swap3A_139 : vector<1x1x16xf32> to vector<16xf32>
      %swap3A_141 = vector.shape_cast %broadcast_in_dim3A_1 : vector<16xf32> to vector<1x1x16xf32>
      tpu.vector_store %arg6[%swap3A_136, %swap3A_137, %swap3A_138], %swap3A_141 {strides = array<i32>} : memref<2x128x32xf32, #tpu.memory_space<vmem>>, vector<1x1x16xf32>,
      %scan3A_142 = arith.constant 1 : i32
      %scan3A_143 = arith.addi %scan3A_128, %scan3A_142 : i32
      %swap3A_144 = arith.constant 1 : i32
      %swap3A_145 = arith.index_cast %swap3A_144 : i32 to index
      %swap3A_146 = arith.index_cast %scan3A_143 : i32 to index
      %swap3A_147 = arith.constant 0 : index
      %swap3A_148 = tpu.vector_load %arg6[%swap3A_145, %swap3A_146, %swap3A_147] {strides = array<i32>} : memref<2x128x32xf32, #tpu.memory_space<vmem>>, vector<1x1x16xf32>,
      %swap3A_149 = vector.shape_cast %swap3A_148 : vector<1x1x16xf32> to vector<16xf32>
      %swap3A_150 = vector.shape_cast %broadcast_in_dim3A_1 : vector<16xf32> to vector<1x1x16xf32>
      tpu.vector_store %arg6[%swap3A_145, %swap3A_146, %swap3A_147], %swap3A_150 {strides = array<i32>} : memref<2x128x32xf32, #tpu.memory_space<vmem>>, vector<1x1x16xf32>,
      %swap3A_151 = arith.constant 1 : i32
      %swap3A_152 = arith.index_cast %swap3A_151 : i32 to index
      %swap3A_153 = arith.index_cast %scan3A_143 : i32 to index
      %swap3A_154 = arith.constant 16 : index
      %swap3A_155 = tpu.vector_load %arg6[%swap3A_152, %swap3A_153, %swap3A_154] {strides = array<i32>} : memref<2x128x32xf32, #tpu.memory_space<vmem>>, vector<1x1x16xf32>,
      %swap3A_156 = vector.shape_cast %swap3A_155 : vector<1x1x16xf32> to vector<16xf32>
      %swap3A_157 = vector.shape_cast %broadcast_in_dim3A_1 : vector<16xf32> to vector<1x1x16xf32>
      tpu.vector_store %arg6[%swap3A_152, %swap3A_153, %swap3A_154], %swap3A_157 {strides = array<i32>} : memref<2x128x32xf32, #tpu.memory_space<vmem>>, vector<1x1x16xf32>,
      %scan3A_158 = arith.constant 2 : i32
      %scan3A_159 = arith.addi %scan3A_128, %scan3A_158 : i32
      %swap3A_160 = arith.constant 1 : i32
      %swap3A_161 = arith.index_cast %swap3A_160 : i32 to index
      %swap3A_162 = arith.index_cast %scan3A_159 : i32 to index
      %swap3A_163 = arith.constant 0 : index
      %swap3A_164 = tpu.vector_load %arg6[%swap3A_161, %swap3A_162, %swap3A_163] {strides = array<i32>} : memref<2x128x32xf32, #tpu.memory_space<vmem>>, vector<1x1x16xf32>,
      %swap3A_165 = vector.shape_cast %swap3A_164 : vector<1x1x16xf32> to vector<16xf32>
      %swap3A_166 = vector.shape_cast %broadcast_in_dim3A_1 : vector<16xf32> to vector<1x1x16xf32>
      tpu.vector_store %arg6[%swap3A_161, %swap3A_162, %swap3A_163], %swap3A_166 {strides = array<i32>} : memref<2x128x32xf32, #tpu.memory_space<vmem>>, vector<1x1x16xf32>,
      %swap3A_167 = arith.constant 1 : i32
      %swap3A_168 = arith.index_cast %swap3A_167 : i32 to index
      %swap3A_169 = arith.index_cast %scan3A_159 : i32 to index
      %swap3A_170 = arith.constant 16 : index
      %swap3A_171 = tpu.vector_load %arg6[%swap3A_168, %swap3A_169, %swap3A_170] {strides = array<i32>} : memref<2x128x32xf32, #tpu.memory_space<vmem>>, vector<1x1x16xf32>,
      %swap3A_172 = vector.shape_cast %swap3A_171 : vector<1x1x16xf32> to vector<16xf32>
      %swap3A_173 = vector.shape_cast %broadcast_in_dim3A_1 : vector<16xf32> to vector<1x1x16xf32>
      tpu.vector_store %arg6[%swap3A_168, %swap3A_169, %swap3A_170], %swap3A_173 {strides = array<i32>} : memref<2x128x32xf32, #tpu.memory_space<vmem>>, vector<1x1x16xf32>,
      %scan3A_174 = arith.constant 3 : i32
      %scan3A_175 = arith.addi %scan3A_128, %scan3A_174 : i32
      %swap3A_176 = arith.constant 1 : i32
      %swap3A_177 = arith.index_cast %swap3A_176 : i32 to index
      %swap3A_178 = arith.index_cast %scan3A_175 : i32 to index
      %swap3A_179 = arith.constant 0 : index
      %swap3A_180 = tpu.vector_load %arg6[%swap3A_177, %swap3A_178, %swap3A_179] {strides = array<i32>} : memref<2x128x32xf32, #tpu.memory_space<vmem>>, vector<1x1x16xf32>,
      %swap3A_181 = vector.shape_cast %swap3A_180 : vector<1x1x16xf32> to vector<16xf32>
      %swap3A_182 = vector.shape_cast %broadcast_in_dim3A_1 : vector<16xf32> to vector<1x1x16xf32>
      tpu.vector_store %arg6[%swap3A_177, %swap3A_178, %swap3A_179], %swap3A_182 {strides = array<i32>} : memref<2x128x32xf32, #tpu.memory_space<vmem>>, vector<1x1x16xf32>,
      %swap3A_183 = arith.constant 1 : i32
      %swap3A_184 = arith.index_cast %swap3A_183 : i32 to index
      %swap3A_185 = arith.index_cast %scan3A_175 : i32 to index
      %swap3A_186 = arith.constant 16 : index
      %swap3A_187 = tpu.vector_load %arg6[%swap3A_184, %swap3A_185, %swap3A_186] {strides = array<i32>} : memref<2x128x32xf32, #tpu.memory_space<vmem>>, vector<1x1x16xf32>,
      %swap3A_188 = vector.shape_cast %swap3A_187 : vector<1x1x16xf32> to vector<16xf32>
      %swap3A_189 = vector.shape_cast %broadcast_in_dim3A_1 : vector<16xf32> to vector<1x1x16xf32>
      tpu.vector_store %arg6[%swap3A_184, %swap3A_185, %swap3A_186], %swap3A_189 {strides = array<i32>} : memref<2x128x32xf32, #tpu.memory_space<vmem>>, vector<1x1x16xf32>,
      %scan3A_190 = arith.constant 4 : i32
      %scan3A_191 = arith.addi %scan3A_128, %scan3A_190 : i32
      %swap3A_192 = arith.constant 1 : i32
      %swap3A_193 = arith.index_cast %swap3A_192 : i32 to index
      %swap3A_194 = arith.index_cast %scan3A_191 : i32 to index
      %swap3A_195 = arith.constant 0 : index
      %swap3A_196 = tpu.vector_load %arg6[%swap3A_193, %swap3A_194, %swap3A_195] {strides = array<i32>} : memref<2x128x32xf32, #tpu.memory_space<vmem>>, vector<1x1x16xf32>,
      %swap3A_197 = vector.shape_cast %swap3A_196 : vector<1x1x16xf32> to vector<16xf32>
      %swap3A_198 = vector.shape_cast %broadcast_in_dim3A_1 : vector<16xf32> to vector<1x1x16xf32>
      tpu.vector_store %arg6[%swap3A_193, %swap3A_194, %swap3A_195], %swap3A_198 {strides = array<i32>} : memref<2x128x32xf32, #tpu.memory_space<vmem>>, vector<1x1x16xf32>,
      %swap3A_199 = arith.constant 1 : i32
      %swap3A_200 = arith.index_cast %swap3A_199 : i32 to index
      %swap3A_201 = arith.index_cast %scan3A_191 : i32 to index
      %swap3A_202 = arith.constant 16 : index
      %swap3A_203 = tpu.vector_load %arg6[%swap3A_200, %swap3A_201, %swap3A_202] {strides = array<i32>} : memref<2x128x32xf32, #tpu.memory_space<vmem>>, vector<1x1x16xf32>,
      %swap3A_204 = vector.shape_cast %swap3A_203 : vector<1x1x16xf32> to vector<16xf32>
      %swap3A_205 = vector.shape_cast %broadcast_in_dim3A_1 : vector<16xf32> to vector<1x1x16xf32>
      tpu.vector_store %arg6[%swap3A_200, %swap3A_201, %swap3A_202], %swap3A_205 {strides = array<i32>} : memref<2x128x32xf32, #tpu.memory_space<vmem>>, vector<1x1x16xf32>,
      %scan3A_206 = arith.constant 5 : i32
      %scan3A_207 = arith.addi %scan3A_128, %scan3A_206 : i32
      %swap3A_208 = arith.constant 1 : i32
      %swap3A_209 = arith.index_cast %swap3A_208 : i32 to index
      %swap3A_210 = arith.index_cast %scan3A_207 : i32 to index
      %swap3A_211 = arith.constant 0 : index
      %swap3A_212 = tpu.vector_load %arg6[%swap3A_209, %swap3A_210, %swap3A_211] {strides = array<i32>} : memref<2x128x32xf32, #tpu.memory_space<vmem>>, vector<1x1x16xf32>,
      %swap3A_213 = vector.shape_cast %swap3A_212 : vector<1x1x16xf32> to vector<16xf32>
      %swap3A_214 = vector.shape_cast %broadcast_in_dim3A_1 : vector<16xf32> to vector<1x1x16xf32>
      tpu.vector_store %arg6[%swap3A_209, %swap3A_210, %swap3A_211], %swap3A_214 {strides = array<i32>} : memref<2x128x32xf32, #tpu.memory_space<vmem>>, vector<1x1x16xf32>,
      %swap3A_215 = arith.constant 1 : i32
      %swap3A_216 = arith.index_cast %swap3A_215 : i32 to index
      %swap3A_217 = arith.index_cast %scan3A_207 : i32 to index
      %swap3A_218 = arith.constant 16 : index
      %swap3A_219 = tpu.vector_load %arg6[%swap3A_216, %swap3A_217, %swap3A_218] {strides = array<i32>} : memref<2x128x32xf32, #tpu.memory_space<vmem>>, vector<1x1x16xf32>,
      %swap3A_220 = vector.shape_cast %swap3A_219 : vector<1x1x16xf32> to vector<16xf32>
      %swap3A_221 = vector.shape_cast %broadcast_in_dim3A_1 : vector<16xf32> to vector<1x1x16xf32>
      tpu.vector_store %arg6[%swap3A_216, %swap3A_217, %swap3A_218], %swap3A_221 {strides = array<i32>} : memref<2x128x32xf32, #tpu.memory_space<vmem>>, vector<1x1x16xf32>,
      %scan3A_222 = arith.constant 6 : i32
      %scan3A_223 = arith.addi %scan3A_128, %scan3A_222 : i32
      %swap3A_224 = arith.constant 1 : i32
      %swap3A_225 = arith.index_cast %swap3A_224 : i32 to index
      %swap3A_226 = arith.index_cast %scan3A_223 : i32 to index
      %swap3A_227 = arith.constant 0 : index
      %swap3A_228 = tpu.vector_load %arg6[%swap3A_225, %swap3A_226, %swap3A_227] {strides = array<i32>} : memref<2x128x32xf32, #tpu.memory_space<vmem>>, vector<1x1x16xf32>,
      %swap3A_229 = vector.shape_cast %swap3A_228 : vector<1x1x16xf32> to vector<16xf32>
      %swap3A_230 = vector.shape_cast %broadcast_in_dim3A_1 : vector<16xf32> to vector<1x1x16xf32>
      tpu.vector_store %arg6[%swap3A_225, %swap3A_226, %swap3A_227], %swap3A_230 {strides = array<i32>} : memref<2x128x32xf32, #tpu.memory_space<vmem>>, vector<1x1x16xf32>,
      %swap3A_231 = arith.constant 1 : i32
      %swap3A_232 = arith.index_cast %swap3A_231 : i32 to index
      %swap3A_233 = arith.index_cast %scan3A_223 : i32 to index
      %swap3A_234 = arith.constant 16 : index
      %swap3A_235 = tpu.vector_load %arg6[%swap3A_232, %swap3A_233, %swap3A_234] {strides = array<i32>} : memref<2x128x32xf32, #tpu.memory_space<vmem>>, vector<1x1x16xf32>,
      %swap3A_236 = vector.shape_cast %swap3A_235 : vector<1x1x16xf32> to vector<16xf32>
      %swap3A_237 = vector.shape_cast %broadcast_in_dim3A_1 : vector<16xf32> to vector<1x1x16xf32>
      tpu.vector_store %arg6[%swap3A_232, %swap3A_233, %swap3A_234], %swap3A_237 {strides = array<i32>} : memref<2x128x32xf32, #tpu.memory_space<vmem>>, vector<1x1x16xf32>,
      %scan3A_238 = arith.constant 7 : i32
      %scan3A_239 = arith.addi %scan3A_128, %scan3A_238 : i32
      %swap3A_240 = arith.constant 1 : i32
      %swap3A_241 = arith.index_cast %swap3A_240 : i32 to index
      %swap3A_242 = arith.index_cast %scan3A_239 : i32 to index
      %swap3A_243 = arith.constant 0 : index
      %swap3A_244 = tpu.vector_load %arg6[%swap3A_241, %swap3A_242, %swap3A_243] {strides = array<i32>} : memref<2x128x32xf32, #tpu.memory_space<vmem>>, vector<1x1x16xf32>,
      %swap3A_245 = vector.shape_cast %swap3A_244 : vector<1x1x16xf32> to vector<16xf32>
      %swap3A_246 = vector.shape_cast %broadcast_in_dim3A_1 : vector<16xf32> to vector<1x1x16xf32>
      tpu.vector_store %arg6[%swap3A_241, %swap3A_242, %swap3A_243], %swap3A_246 {strides = array<i32>} : memref<2x128x32xf32, #tpu.memory_space<vmem>>, vector<1x1x16xf32>,
      %swap3A_247 = arith.constant 1 : i32
      %swap3A_248 = arith.index_cast %swap3A_247 : i32 to index
      %swap3A_249 = arith.index_cast %scan3A_239 : i32 to index
      %swap3A_250 = arith.constant 16 : index
      %swap3A_251 = tpu.vector_load %arg6[%swap3A_248, %swap3A_249, %swap3A_250] {strides = array<i32>} : memref<2x128x32xf32, #tpu.memory_space<vmem>>, vector<1x1x16xf32>,
      %swap3A_252 = vector.shape_cast %swap3A_251 : vector<1x1x16xf32> to vector<16xf32>
      %swap3A_253 = vector.shape_cast %broadcast_in_dim3A_1 : vector<16xf32> to vector<1x1x16xf32>
      tpu.vector_store %arg6[%swap3A_248, %swap3A_249, %swap3A_250], %swap3A_253 {strides = array<i32>} : memref<2x128x32xf32, #tpu.memory_space<vmem>>, vector<1x1x16xf32>,
    }
    %scan3A_95 = arith.constant 128 : i32
    %scan3A_96 = arith.constant 0 : i32
    %scan3A_97 = arith.constant 0 : i32
    %scan3A_98 = arith.constant 200 : i32
    %scan3A_99 = arith.addi %scan3A_97, %scan3A_98 : i32
    %scan3A_100 = arith.constant 1 : i32
    scf.for %scan3A_128 = %scan3A_97 to %scan3A_99 step %scan3A_100  : i32 {
      %dma_start3A = arith.constant 1 : i32
      %dma_start3A_129 = arith.constant 1 : i32
      %dma_start3A_130 = arith.constant 0 : i32
      %dma_start3A_131 = arith.constant 0 : i32
      %dma_start3A_132 = tpu.memref_slice %arg6[%dma_start3A_129, %dma_start3A_130, %dma_start3A_131] : memref<2x128x32xf32, #tpu.memory_space<vmem>> -> memref<1x128x32xf32, #tpu.memory_space<vmem>>
      %dma_start3A_133 = tpu.memref_squeeze %dma_start3A_132 : memref<1x128x32xf32, #tpu.memory_space<vmem>> -> memref<128x32xf32, #tpu.memory_space<vmem>>
      %dma_start3A_134 = arith.constant 0 : i32
      %dma_start3A_135 = tpu.memref_slice %arg5[%dma_start3A, %scan3A_128, %dma_start3A_134] : memref<2x200x128xi32, #tpu.memory_space<vmem>> -> memref<1x1x128xi32, #tpu.memory_space<vmem>>
      %dma_start3A_136 = tpu.memref_squeeze %dma_start3A_135 : memref<1x1x128xi32, #tpu.memory_space<vmem>> -> memref<128xi32, #tpu.memory_space<vmem>>
      %dma_start3A_137 = arith.constant 0 : i32
      %dma_start3A_138 = arith.constant 0 : i32
      %dma_start3A_139 = tpu.memref_slice %arg3[%dma_start3A_137, %dma_start3A_138] : memref<1000000x32xf32, #tpu.memory_space<hbm>> -> memref<1000000x32xf32, #tpu.memory_space<hbm>>
      tpu.enqueue_indirect_dma source(%dma_start3A_139 : memref<1000000x32xf32, #tpu.memory_space<hbm>>) target(%dma_start3A_133 : memref<128x32xf32, #tpu.memory_space<vmem>>) offsets(%dma_start3A_136 : memref<128xi32, #tpu.memory_space<vmem>>) semaphore(%arg8 : memref<!tpu.dma_semaphore, #tpu.memory_space<semaphore_mem>>) {add = true}
    }
    %scan3A_101 = arith.constant 200 : i32
    %scan3A_102 = arith.constant 0 : i32
    %scan3A_103 = arith.constant 0 : i32
    %scan3A_104 = arith.constant 200 : i32
    %scan3A_105 = arith.addi %scan3A_103, %scan3A_104 : i32
    %scan3A_106 = arith.constant 1 : i32
    scf.for %scan3A_128 = %scan3A_103 to %scan3A_105 step %scan3A_106  : i32 {
      %dma_wait3A = arith.constant 0 : i32
      %dma_wait3A_129 = arith.constant 0 : i32
      %dma_wait3A_130 = arith.constant 0 : i32
      %dma_wait3A_131 = arith.constant 0 : i32
      %dma_wait3A_132 = arith.constant 0 : i32
      %dma_wait3A_133 = tpu.memref_slice %arg6[%dma_wait3A_130, %dma_wait3A_131, %dma_wait3A_132] : memref<2x128x32xf32, #tpu.memory_space<vmem>> -> memref<1x128x32xf32, #tpu.memory_space<vmem>>
      %dma_wait3A_134 = tpu.memref_squeeze %dma_wait3A_133 : memref<1x128x32xf32, #tpu.memory_space<vmem>> -> memref<128x32xf32, #tpu.memory_space<vmem>>
      %dma_wait3A_135 = arith.constant 0 : i32
      %dma_wait3A_136 = tpu.memref_slice %arg5[%dma_wait3A, %dma_wait3A_129, %dma_wait3A_135] : memref<2x200x128xi32, #tpu.memory_space<vmem>> -> memref<1x1x128xi32, #tpu.memory_space<vmem>>
      %dma_wait3A_137 = tpu.memref_squeeze %dma_wait3A_136 : memref<1x1x128xi32, #tpu.memory_space<vmem>> -> memref<128xi32, #tpu.memory_space<vmem>>
      %dma_wait3A_138 = arith.constant 0 : i32
      %dma_wait3A_139 = arith.constant 0 : i32
      %dma_wait3A_140 = tpu.memref_slice %arg3[%dma_wait3A_138, %dma_wait3A_139] : memref<1000000x32xf32, #tpu.memory_space<hbm>> -> memref<1000000x32xf32, #tpu.memory_space<hbm>>
      tpu.wait_indirect_dma semaphore(%arg7 : memref<!tpu.dma_semaphore, #tpu.memory_space<semaphore_mem>>) src(%dma_wait3A_140 : memref<1000000x32xf32, #tpu.memory_space<hbm>>) dst(%dma_wait3A_134 : memref<128x32xf32, #tpu.memory_space<vmem>>)
    }
    %scan3A_107 = arith.constant 200 : i32
    %mul3A_108 = arith.constant 4 : i32
    %mul3A_109 = arith.muli %add3A, %mul3A_108 : i32
    %add3A_110 = arith.constant 2 : i32
    %add3A_111 = arith.addi %mul3A_109, %add3A_110 : i32
    %mul3A_112 = arith.constant 128 : i32
    %mul3A_113 = arith.muli %add3A_111, %mul3A_112 : i32
    %run_scoped3A_114 = arith.constant 0 : i32
    "tpu.region"() ({
      %run_scoped3A_128 = tpu.sem_alloc : memref<!tpu.dma_semaphore, #tpu.memory_space<semaphore_mem>>
      %dma_start3A = arith.constant 0 : i32
      %dma_start3A_129 = arith.constant 0 : i32
      %dma_start3A_130 = tpu.memref_slice %arg6[%run_scoped3A_114, %dma_start3A, %dma_start3A_129] : memref<2x128x32xf32, #tpu.memory_space<vmem>> -> memref<1x128x32xf32, #tpu.memory_space<vmem>>
      %dma_start3A_131 = tpu.memref_squeeze %dma_start3A_130 : memref<1x128x32xf32, #tpu.memory_space<vmem>> -> memref<128x32xf32, #tpu.memory_space<vmem>>
      %dma_start3A_132 = arith.constant 0 : i32
      %dma_start3A_133 = tpu.memref_slice %arg4[%mul3A_113, %dma_start3A_132] : memref<16384x32xf32, #tpu.memory_space<hbm>> -> memref<128x32xf32, #tpu.memory_space<hbm>>
      %dma_start3A_134 = arith.constant 0 : i32
      %dma_start3A_135 = tpu.memref_slice %arg4[%mul3A_113, %dma_start3A_134] : memref<16384x32xf32, #tpu.memory_space<hbm>> -> memref<128x32xf32, #tpu.memory_space<hbm>>
      %dma_start3A_136 = arith.constant 0 : i32
      %dma_start3A_137 = arith.constant 0 : i32
      %dma_start3A_138 = tpu.memref_slice %arg6[%run_scoped3A_114, %dma_start3A_136, %dma_start3A_137] : memref<2x128x32xf32, #tpu.memory_space<vmem>> -> memref<1x128x32xf32, #tpu.memory_space<vmem>>
      %dma_start3A_139 = tpu.memref_squeeze %dma_start3A_138 : memref<1x128x32xf32, #tpu.memory_space<vmem>> -> memref<128x32xf32, #tpu.memory_space<vmem>>
      tpu.enqueue_dma source(%dma_start3A_139 : memref<128x32xf32, #tpu.memory_space<vmem>>) target(%dma_start3A_135 : memref<128x32xf32, #tpu.memory_space<hbm>>) target_semaphore(%run_scoped3A_128 : memref<!tpu.dma_semaphore, #tpu.memory_space<semaphore_mem>>)
      %dma_wait3A = arith.constant 0 : i32
      %dma_wait3A_140 = arith.constant 0 : i32
      %dma_wait3A_141 = tpu.memref_slice %arg6[%run_scoped3A_114, %dma_wait3A, %dma_wait3A_140] : memref<2x128x32xf32, #tpu.memory_space<vmem>> -> memref<1x128x32xf32, #tpu.memory_space<vmem>>
      %dma_wait3A_142 = tpu.memref_squeeze %dma_wait3A_141 : memref<1x128x32xf32, #tpu.memory_space<vmem>> -> memref<128x32xf32, #tpu.memory_space<vmem>>
      %dma_wait3A_143 = arith.constant 0 : i32
      %dma_wait3A_144 = tpu.memref_slice %arg4[%mul3A_113, %dma_wait3A_143] : memref<16384x32xf32, #tpu.memory_space<hbm>> -> memref<128x32xf32, #tpu.memory_space<hbm>>
      %dma_wait3A_145 = arith.constant 0 : i32
      %dma_wait3A_146 = tpu.memref_slice %arg4[%mul3A_113, %dma_wait3A_145] : memref<16384x32xf32, #tpu.memory_space<hbm>> -> memref<128x32xf32, #tpu.memory_space<hbm>>
      %dma_wait3A_147 = arith.constant 0 : i32
      %dma_wait3A_148 = arith.constant 0 : i32
      %dma_wait3A_149 = tpu.memref_slice %arg6[%run_scoped3A_114, %dma_wait3A_147, %dma_wait3A_148] : memref<2x128x32xf32, #tpu.memory_space<vmem>> -> memref<1x128x32xf32, #tpu.memory_space<vmem>>
      %dma_wait3A_150 = tpu.memref_squeeze %dma_wait3A_149 : memref<1x128x32xf32, #tpu.memory_space<vmem>> -> memref<128x32xf32, #tpu.memory_space<vmem>>
      tpu.wait_dma2 semaphore(%run_scoped3A_128 : memref<!tpu.dma_semaphore, #tpu.memory_space<semaphore_mem>>) src(%dma_wait3A_150 : memref<128x32xf32, #tpu.memory_space<vmem>>) dst(%dma_wait3A_146 : memref<128x32xf32, #tpu.memory_space<hbm>>)
      tpu.yield
    }) : () -> ()
    %scan3A_115 = arith.constant 0 : i32
    %scan3A_116 = arith.constant 0 : i32
    %scan3A_117 = arith.constant 200 : i32
    %scan3A_118 = arith.addi %scan3A_116, %scan3A_117 : i32
    %scan3A_119 = arith.constant 1 : i32
    scf.for %scan3A_128 = %scan3A_116 to %scan3A_118 step %scan3A_119  : i32 {
      %dma_wait3A = arith.constant 1 : i32
      %dma_wait3A_129 = arith.constant 0 : i32
      %dma_wait3A_130 = arith.constant 1 : i32
      %dma_wait3A_131 = arith.constant 0 : i32
      %dma_wait3A_132 = arith.constant 0 : i32
      %dma_wait3A_133 = tpu.memref_slice %arg6[%dma_wait3A_130, %dma_wait3A_131, %dma_wait3A_132] : memref<2x128x32xf32, #tpu.memory_space<vmem>> -> memref<1x128x32xf32, #tpu.memory_space<vmem>>
      %dma_wait3A_134 = tpu.memref_squeeze %dma_wait3A_133 : memref<1x128x32xf32, #tpu.memory_space<vmem>> -> memref<128x32xf32, #tpu.memory_space<vmem>>
      %dma_wait3A_135 = arith.constant 0 : i32
      %dma_wait3A_136 = tpu.memref_slice %arg5[%dma_wait3A, %dma_wait3A_129, %dma_wait3A_135] : memref<2x200x128xi32, #tpu.memory_space<vmem>> -> memref<1x1x128xi32, #tpu.memory_space<vmem>>
      %dma_wait3A_137 = tpu.memref_squeeze %dma_wait3A_136 : memref<1x1x128xi32, #tpu.memory_space<vmem>> -> memref<128xi32, #tpu.memory_space<vmem>>
      %dma_wait3A_138 = arith.constant 0 : i32
      %dma_wait3A_139 = arith.constant 0 : i32
      %dma_wait3A_140 = tpu.memref_slice %arg3[%dma_wait3A_138, %dma_wait3A_139] : memref<1000000x32xf32, #tpu.memory_space<hbm>> -> memref<1000000x32xf32, #tpu.memory_space<hbm>>
      tpu.wait_indirect_dma semaphore(%arg8 : memref<!tpu.dma_semaphore, #tpu.memory_space<semaphore_mem>>) src(%dma_wait3A_140 : memref<1000000x32xf32, #tpu.memory_space<hbm>>) dst(%dma_wait3A_134 : memref<128x32xf32, #tpu.memory_space<vmem>>)
    }
    %scan3A_120 = arith.constant 200 : i32
    %mul3A_121 = arith.constant 4 : i32
    %mul3A_122 = arith.muli %add3A, %mul3A_121 : i32
    %add3A_123 = arith.constant 3 : i32
    %add3A_124 = arith.addi %mul3A_122, %add3A_123 : i32
    %mul3A_125 = arith.constant 128 : i32
    %mul3A_126 = arith.muli %add3A_124, %mul3A_125 : i32
    %run_scoped3A_127 = arith.constant 1 : i32
    "tpu.region"() ({
      %run_scoped3A_128 = tpu.sem_alloc : memref<!tpu.dma_semaphore, #tpu.memory_space<semaphore_mem>>
      %dma_start3A = arith.constant 0 : i32
      %dma_start3A_129 = arith.constant 0 : i32
      %dma_start3A_130 = tpu.memref_slice %arg6[%run_scoped3A_127, %dma_start3A, %dma_start3A_129] : memref<2x128x32xf32, #tpu.memory_space<vmem>> -> memref<1x128x32xf32, #tpu.memory_space<vmem>>
      %dma_start3A_131 = tpu.memref_squeeze %dma_start3A_130 : memref<1x128x32xf32, #tpu.memory_space<vmem>> -> memref<128x32xf32, #tpu.memory_space<vmem>>
      %dma_start3A_132 = arith.constant 0 : i32
      %dma_start3A_133 = tpu.memref_slice %arg4[%mul3A_126, %dma_start3A_132] : memref<16384x32xf32, #tpu.memory_space<hbm>> -> memref<128x32xf32, #tpu.memory_space<hbm>>
      %dma_start3A_134 = arith.constant 0 : i32
      %dma_start3A_135 = tpu.memref_slice %arg4[%mul3A_126, %dma_start3A_134] : memref<16384x32xf32, #tpu.memory_space<hbm>> -> memref<128x32xf32, #tpu.memory_space<hbm>>
      %dma_start3A_136 = arith.constant 0 : i32
      %dma_start3A_137 = arith.constant 0 : i32
      %dma_start3A_138 = tpu.memref_slice %arg6[%run_scoped3A_127, %dma_start3A_136, %dma_start3A_137] : memref<2x128x32xf32, #tpu.memory_space<vmem>> -> memref<1x128x32xf32, #tpu.memory_space<vmem>>
      %dma_start3A_139 = tpu.memref_squeeze %dma_start3A_138 : memref<1x128x32xf32, #tpu.memory_space<vmem>> -> memref<128x32xf32, #tpu.memory_space<vmem>>
      tpu.enqueue_dma source(%dma_start3A_139 : memref<128x32xf32, #tpu.memory_space<vmem>>) target(%dma_start3A_135 : memref<128x32xf32, #tpu.memory_space<hbm>>) target_semaphore(%run_scoped3A_128 : memref<!tpu.dma_semaphore, #tpu.memory_space<semaphore_mem>>)
      %dma_wait3A = arith.constant 0 : i32
      %dma_wait3A_140 = arith.constant 0 : i32
      %dma_wait3A_141 = tpu.memref_slice %arg6[%run_scoped3A_127, %dma_wait3A, %dma_wait3A_140] : memref<2x128x32xf32, #tpu.memory_space<vmem>> -> memref<1x128x32xf32, #tpu.memory_space<vmem>>
      %dma_wait3A_142 = tpu.memref_squeeze %dma_wait3A_141 : memref<1x128x32xf32, #tpu.memory_space<vmem>> -> memref<128x32xf32, #tpu.memory_space<vmem>>
      %dma_wait3A_143 = arith.constant 0 : i32
      %dma_wait3A_144 = tpu.memref_slice %arg4[%mul3A_126, %dma_wait3A_143] : memref<16384x32xf32, #tpu.memory_space<hbm>> -> memref<128x32xf32, #tpu.memory_space<hbm>>
      %dma_wait3A_145 = arith.constant 0 : i32
      %dma_wait3A_146 = tpu.memref_slice %arg4[%mul3A_126, %dma_wait3A_145] : memref<16384x32xf32, #tpu.memory_space<hbm>> -> memref<128x32xf32, #tpu.memory_space<hbm>>
      %dma_wait3A_147 = arith.constant 0 : i32
      %dma_wait3A_148 = arith.constant 0 : i32
      %dma_wait3A_149 = tpu.memref_slice %arg6[%run_scoped3A_127, %dma_wait3A_147, %dma_wait3A_148] : memref<2x128x32xf32, #tpu.memory_space<vmem>> -> memref<1x128x32xf32, #tpu.memory_space<vmem>>
      %dma_wait3A_150 = tpu.memref_squeeze %dma_wait3A_149 : memref<1x128x32xf32, #tpu.memory_space<vmem>> -> memref<128x32xf32, #tpu.memory_space<vmem>>
      tpu.wait_dma2 semaphore(%run_scoped3A_128 : memref<!tpu.dma_semaphore, #tpu.memory_space<semaphore_mem>>) src(%dma_wait3A_150 : memref<128x32xf32, #tpu.memory_space<vmem>>) dst(%dma_wait3A_146 : memref<128x32xf32, #tpu.memory_space<hbm>>)
      tpu.yield
    }) : () -> ()
    return
  }
}

module attributes {stable_mosaic.version = 14 : i64} {
  func.func @_tr_body(%arg0: i32, %arg1: memref<200x2048xi32, #tpu.memory_space<vmem>>, %arg2: memref<3200x128xi32, #tpu.memory_space<vmem>>) attributes {dimension_semantics = [#tpu.dimension_semantics<arbitrary>], iteration_bounds = array<i64: 8>, scalar_prefetch = 0 : i64, scratch_operands = 0 : i64, tpu.core_type = #tpu.core_type<tc>, window_params = [{transform_indices = @transform_0, window_bounds = array<i64: 200, 2048>}, {transform_indices = @transform_1, window_bounds = array<i64: 3200, 128>}]} {
    %get3A = arith.constant 0 : index
    %get3A_0 = arith.constant 0 : index
    %get3A_1 = vector.load %arg1[%get3A, %get3A_0] : memref<200x2048xi32, #tpu.memory_space<vmem>>, vector<200x2048xi32>
    %reshape3A = vector.shape_cast %get3A_1 : vector<200x2048xi32> to vector<200x16x128xi32>
    %transpose3A = tpu.transpose %reshape3A, [1, 0, 2] : vector<200x16x128xi32> -> vector<16x200x128xi32>
    %reshape3A_2 = vector.shape_cast %transpose3A : vector<16x200x128xi32> to vector<3200x128xi32>
    %swap3A = arith.constant 0 : index
    %swap3A_3 = arith.constant 0 : index
    %swap3A_4 = vector.load %arg2[%swap3A, %swap3A_3] : memref<3200x128xi32, #tpu.memory_space<vmem>>, vector<3200x128xi32>
    tpu.vector_store %arg2[%swap3A, %swap3A_3], %reshape3A_2 {strides = array<i32>} : memref<3200x128xi32, #tpu.memory_space<vmem>>, vector<3200x128xi32>,
    return
  }
  func.func @transform_0(%arg0: i32) -> (i32, i32) {
    %c0_i32 = arith.constant 0 : i32
    %c0_i32_0 = arith.constant 0 : i32
    return %c0_i32, %arg0 : i32, i32
  }
  func.func @transform_1(%arg0: i32) -> (i32, i32) {
    %c0_i32 = arith.constant 0 : i32
    %c0_i32_0 = arith.constant 0 : i32
    return %arg0, %c0_i32 : i32, i32
  }
}

module attributes {stable_mosaic.version = 14 : i64} {
  func.func @_repack_body(%arg0: i32, %arg1: memref<32x16384xf32, #tpu.memory_space<vmem>>, %arg2: memref<4096x128xf32, #tpu.memory_space<vmem>>) attributes {dimension_semantics = [#tpu.dimension_semantics<arbitrary>], iteration_bounds = array<i64: 62>, scalar_prefetch = 0 : i64, scratch_operands = 0 : i64, tpu.core_type = #tpu.core_type<tc>, window_params = [{transform_indices = @transform_0, window_bounds = array<i64: 32, 16384>}, {transform_indices = @transform_1, window_bounds = array<i64: 4096, 128>}]} {
    %get3A = arith.constant 0 : index
    %get3A_0 = arith.constant 0 : index
    %get3A_1 = vector.load %arg1[%get3A, %get3A_0] : memref<32x16384xf32, #tpu.memory_space<vmem>>, vector<32x16384xf32>
    %transpose3A = tpu.transpose %get3A_1, [1, 0] : vector<32x16384xf32> -> vector<16384x32xf32>
    %reshape3A = vector.shape_cast %transpose3A : vector<16384x32xf32> to vector<4096x4x32xf32>
    %slice3A = vector.extract_strided_slice %reshape3A {offsets = [0, 0, 0], sizes = [4096, 1, 32], strides = [1, 1, 1]} : vector<4096x4x32xf32> to vector<4096x1x32xf32>
    %squeeze3A = vector.shape_cast %slice3A : vector<4096x1x32xf32> to vector<4096x32xf32>
    %slice3A_2 = vector.extract_strided_slice %reshape3A {offsets = [0, 1, 0], sizes = [4096, 1, 32], strides = [1, 1, 1]} : vector<4096x4x32xf32> to vector<4096x1x32xf32>
    %squeeze3A_3 = vector.shape_cast %slice3A_2 : vector<4096x1x32xf32> to vector<4096x32xf32>
    %slice3A_4 = vector.extract_strided_slice %reshape3A {offsets = [0, 2, 0], sizes = [4096, 1, 32], strides = [1, 1, 1]} : vector<4096x4x32xf32> to vector<4096x1x32xf32>
    %squeeze3A_5 = vector.shape_cast %slice3A_4 : vector<4096x1x32xf32> to vector<4096x32xf32>
    %slice3A_6 = vector.extract_strided_slice %reshape3A {offsets = [0, 3, 0], sizes = [4096, 1, 32], strides = [1, 1, 1]} : vector<4096x4x32xf32> to vector<4096x1x32xf32>
    %squeeze3A_7 = vector.shape_cast %slice3A_6 : vector<4096x1x32xf32> to vector<4096x32xf32>
    %concatenate3A = tpu.concatenate %squeeze3A, %squeeze3A_3, %squeeze3A_5, %squeeze3A_7 in 1 : vector<4096x32xf32>, vector<4096x32xf32>, vector<4096x32xf32>, vector<4096x32xf32> -> vector<4096x128xf32>
    %swap3A = arith.constant 0 : index
    %swap3A_8 = arith.constant 0 : index
    %swap3A_9 = vector.load %arg2[%swap3A, %swap3A_8] : memref<4096x128xf32, #tpu.memory_space<vmem>>, vector<4096x128xf32>
    tpu.vector_store %arg2[%swap3A, %swap3A_8], %concatenate3A {strides = array<i32>} : memref<4096x128xf32, #tpu.memory_space<vmem>>, vector<4096x128xf32>,
    return
  }
  func.func @transform_0(%arg0: i32) -> (i32, i32) {
    %c0_i32 = arith.constant 0 : i32
    %c0_i32_0 = arith.constant 0 : i32
    return %c0_i32, %arg0 : i32, i32
  }
  func.func @transform_1(%arg0: i32) -> (i32, i32) {
    %c0_i32 = arith.constant 0 : i32
    %c0_i32_0 = arith.constant 0 : i32
    return %arg0, %c0_i32 : i32, i32
  }
}

module attributes {stable_mosaic.version = 14 : i64} {
  func.func @_mlp_body(%arg0: i32, %arg1: memref<2048x32xf32, #tpu.memory_space<vmem>>, %arg2: memref<32x128xf32, #tpu.memory_space<vmem>>, %arg3: memref<1x128xf32, #tpu.memory_space<vmem>>, %arg4: memref<128x2xf32, #tpu.memory_space<vmem>>, %arg5: memref<1x2xf32, #tpu.memory_space<vmem>>, %arg6: memref<2048x2xf32, #tpu.memory_space<vmem>>) attributes {dimension_semantics = [#tpu.dimension_semantics<arbitrary>], iteration_bounds = array<i64: 8>, scalar_prefetch = 0 : i64, scratch_operands = 0 : i64, tpu.core_type = #tpu.core_type<tc>, window_params = [{transform_indices = @transform_0, window_bounds = array<i64: 2048, 32>}, {pipeline_mode = #tpu.pipeline_mode<synchronous>, transform_indices = @transform_1, window_bounds = array<i64: 32, 128>}, {pipeline_mode = #tpu.pipeline_mode<synchronous>, transform_indices = @transform_2, window_bounds = array<i64: 1, 128>}, {pipeline_mode = #tpu.pipeline_mode<synchronous>, transform_indices = @transform_3, window_bounds = array<i64: 128, 2>}, {pipeline_mode = #tpu.pipeline_mode<synchronous>, transform_indices = @transform_4, window_bounds = array<i64: 1, 2>}, {transform_indices = @transform_5, window_bounds = array<i64: 2048, 2>}]} {
    %get3A = arith.constant 0 : index
    %get3A_0 = arith.constant 0 : index
    %get3A_1 = vector.load %arg1[%get3A, %get3A_0] : memref<2048x32xf32, #tpu.memory_space<vmem>>, vector<2048x32xf32>
    %get3A_2 = arith.constant 0 : index
    %get3A_3 = arith.constant 0 : index
    %get3A_4 = vector.load %arg2[%get3A_2, %get3A_3] : memref<32x128xf32, #tpu.memory_space<vmem>>, vector<32x128xf32>
    %dot_general3A = arith.constant dense<0.000000e+00> : vector<2048x128xf32>
    %dot_general3A_5 = tpu.matmul %get3A_1, %get3A_4, %dot_general3A {dimension_numbers = #tpu.dot_dimension_numbers<[1], [0], [0], [1], [0, 0, 1, 1], [], []>, transpose_lhs_hint = false} : vector<2048x32xf32>, vector<32x128xf32>, vector<2048x128xf32> -> vector<2048x128xf32>
    %get3A_6 = arith.constant 0 : index
    %get3A_7 = arith.constant 0 : index
    %get3A_8 = vector.load %arg3[%get3A_6, %get3A_7] : memref<1x128xf32, #tpu.memory_space<vmem>>, vector<1x128xf32>
    %add3A = vector.broadcast %get3A_8 : vector<1x128xf32> to vector<2048x128xf32>
    %add3A_9 = arith.addf %dot_general3A_5, %add3A : vector<2048x128xf32>
    %get3A_10 = arith.constant 0 : index
    %get3A_11 = arith.constant 0 : index
    %get3A_12 = vector.load %arg4[%get3A_10, %get3A_11] : memref<128x2xf32, #tpu.memory_space<vmem>>, vector<128x2xf32>
    %dot_general3A_13 = arith.constant dense<0.000000e+00> : vector<2048x2xf32>
    %dot_general3A_14 = tpu.matmul %add3A_9, %get3A_12, %dot_general3A_13 {dimension_numbers = #tpu.dot_dimension_numbers<[1], [0], [0], [1], [0, 0, 1, 1], [], []>, transpose_lhs_hint = false} : vector<2048x128xf32>, vector<128x2xf32>, vector<2048x2xf32> -> vector<2048x2xf32>
    %get3A_15 = arith.constant 0 : index
    %get3A_16 = arith.constant 0 : index
    %get3A_17 = vector.load %arg5[%get3A_15, %get3A_16] : memref<1x2xf32, #tpu.memory_space<vmem>>, vector<1x2xf32>
    %add3A_18 = vector.broadcast %get3A_17 : vector<1x2xf32> to vector<2048x2xf32>
    %add3A_19 = arith.addf %dot_general3A_14, %add3A_18 : vector<2048x2xf32>
    %swap3A = arith.constant 0 : index
    %swap3A_20 = arith.constant 0 : index
    %swap3A_21 = vector.load %arg6[%swap3A, %swap3A_20] : memref<2048x2xf32, #tpu.memory_space<vmem>>, vector<2048x2xf32>
    tpu.vector_store %arg6[%swap3A, %swap3A_20], %add3A_19 {strides = array<i32>} : memref<2048x2xf32, #tpu.memory_space<vmem>>, vector<2048x2xf32>,
    return
  }
  func.func @transform_0(%arg0: i32) -> (i32, i32) {
    %c0_i32 = arith.constant 0 : i32
    %c0_i32_0 = arith.constant 0 : i32
    return %arg0, %c0_i32 : i32, i32
  }
  func.func @transform_1(%arg0: i32) -> (i32, i32) {
    %c0_i32 = arith.constant 0 : i32
    %c0_i32_0 = arith.constant 0 : i32
    %c0_i32_1 = arith.constant 0 : i32
    return %c0_i32, %c0_i32_0 : i32, i32
  }
  func.func @transform_2(%arg0: i32) -> (i32, i32) {
    %c0_i32 = arith.constant 0 : i32
    %c0_i32_0 = arith.constant 0 : i32
    %c0_i32_1 = arith.constant 0 : i32
    return %c0_i32, %c0_i32_0 : i32, i32
  }
  func.func @transform_3(%arg0: i32) -> (i32, i32) {
    %c0_i32 = arith.constant 0 : i32
    %c0_i32_0 = arith.constant 0 : i32
    %c0_i32_1 = arith.constant 0 : i32
    return %c0_i32, %c0_i32_0 : i32, i32
  }
  func.func @transform_4(%arg0: i32) -> (i32, i32) {
    %c0_i32 = arith.constant 0 : i32
    %c0_i32_0 = arith.constant 0 : i32
    %c0_i32_1 = arith.constant 0 : i32
    return %c0_i32, %c0_i32_0 : i32, i32
  }
  func.func @transform_5(%arg0: i32) -> (i32, i32) {
    %c0_i32 = arith.constant 0 : i32
    %c0_i32_0 = arith.constant 0 : i32
    return %arg0, %c0_i32 : i32, i32
  }
}

</mosaic_0001>

<sc_bundles>
// kernel: kernel.6.cloned.1.call-start
scs
__scs_entry_jumppad:
0x0: {  	(pc) =	sbr.rel $0x88, $3  }
0x1: {  	(tag) =	ssettag $0x0;
	lr =	simm.s32 $0x1  }
0x2: {  	[smem:$0x3F9B] =	sst lr;
	_ =	strace $0xD0000000  }
0x3: {  	_ = 	snop  }
0x4: {  	_ = 	snop  }
0x5: {  	_ = 	snop  }
0x6: {  	_ = 	snop  }
0x7: {  	_ = 	snop  }
__scs_overlays_trampoline_lowered:
0x8: {  	[smem:$0x3FAA] =	sst s0  }
0x9: {  	[smem:$0x3FAB] =	sst s1  }
0xa: {  	[smem:$0x3FAC] =	sst s2  }
0xb: {  	[smem:$0x3FAD] =	sst s3  }
0xc: {  	[smem:$0x3FAE] =	sst s4  }
0xd: {  	[smem:$0x3FAF] =	sst s5  }
0xe: {  	[smem:$0x3FB0] =	sst s6  }
0xf: {  	[smem:$0x3FB1] =	sst s7  }
0x10: {  	[smem:$0x3FB2] =	sst s8  }
0x11: {  	[smem:$0x3FB3] =	sst s9;
	s0 =	simm.s32 @!p0 $0x0  }
0x12: {  	s1 =	sld [smem:$0x3F99];
	s0 =	simm.s32 @p0 $0x1  }
0x13: {  	[smem:$0x3FB4] =	sst s0;
	s0 =	simm.s32 @!p1 $0x0  }
0x14: {  	s2 =	sld [smem:$0x3F98];
	s0 =	simm.s32 @p1 $0x1  }
0x15: {  	[smem:$0x3FB5] =	sst s0;
	s0 =	simm.s32 @!p2 $0x0  }
0x16: {  	s3 =	sld [smem:$0x3FDB];
	s0 =	simm.s32 @p2 $0x1  }
0x17: {  	s4 =	simm.s32 $0x1BF5;
	[smem:$0x3FB7] =	sst s0  }
0x18: {  	s0 =	sld [smem:$0x3F9A];
	_ =	swait.ge [sflag:s4], $0x0  }
0x19: {  	s7 =	sld [smem:$0x3F9B]  }
0x1a: {  	s8 =	sadd.s32 $0xFFFFE003, lr  }
0x1b: {  	s9 =	sadd.s32 $0xFFFFFEF7, lr;
	s5 =	simm.s32 $0xFFFFFFFF;
	p2 =	slt.u32 s8, $0xFFFFF086  }
0x1c: {  	p1 =	slt.u32 s9, $0xF7A;
	s5 =	simm.s32 @!p2 $0x0  }
0x1d: {  	s5 =	simm.s32 @p1 $0x1;
	p0 =	seq.s32 s7, s2  }
0x1e: {  	s7 =	smul.u32 @!p0 $0xF7A, s2;
	p2 =	seq.s32 @!p0 s5, $0x0  }
0x1f: {  	s9 =	smul.u32 $0xF7A, s1;
	s8 =	simm.s32 @!p0 $0x1BF5;
	p2 =	por !p2, p0  }
0x20: {  	[sflag:s8] =	ssyncset.s32 @!p0 $0xFFFFF086;
	s6 =	sadd.s32 @!p0 s3, s7;
	s7 =	simm.s32 @!p0 $0x108  }
0x21: {  	s3 =	sadd.s32 s3, s9;
	s6 =	sadd.s32 @!p0 $0x88, s6;
	s7 =	simm.s32 @p2 $0x1082  }
0x22: {  	[simem:s7], [sflag:s8] =	dma.local @!p0 [hbm:s6], $0xF7A  }
0x23: {  	s9 =	sor.u32 $0xD0000000, s2;
	s6 =	simm.s32 $0x108;
	_ =	swait.ge @!p0 [sflag:s8], $0x0  }
0x24: {  	s3 =	sadd.s32 $0x88, s3;
	s6 =	simm.s32 @!p1 $0x1082;
	[sflag:s4] =	ssyncset.s32 $0xFFFFF086  }
0x25: {  	[simem:s6], [sflag:s4] =	dma.local [hbm:s3], $0xF7A  }
0x26: {  	[smem:$0x3F9B] =	sst s1;
	(tag) =	ssettag s2;
	_ =	strace s9  }
0x27: {  	s1 =	sld [smem:$0x3FAB]  }
0x28: {  	s2 =	sld [smem:$0x3FAC]  }
0x29: {  	s4 =	sld [smem:$0x3FAE]  }
0x2a: {  	p0 =	seq.s32 s5, $0x0;
	s5 =	sld [smem:$0x3FAF]  }
0x2b: {  	s6 =	sld [smem:$0x3FB0]  }
0x2c: {  	s7 =	sld [smem:$0x3FB1]  }
0x2d: {  	s3 =	simm.s32 $0x108;
	s8 =	sld [smem:$0x3FB2]  }
0x2e: {  	s3 =	simm.s32 @!p0 $0x1082;
	s9 =	sld [smem:$0x3FB3]  }
0x2f: {  	lr =	sadd.s32 s0, s3;
	s0 =	sld [smem:$0x3FAA]  }
0x30: {  	s3 =	sld [smem:$0x3FAD]  }
0x31: {  	[smem:$0x3FB6] =	sst s10  }
0x32: {  	s10 =	sld [smem:$0x3FB4];
	_ =	sdelay $0x3  }
0x33: {  	p0 =	seq.s32 s10, $0x1;
	s10 =	sld [smem:$0x3FB6];
	_ =	sdelay $0x3  }
0x34: {  	[smem:$0x3FB6] =	sst s10  }
0x35: {  	s10 =	sld [smem:$0x3FB5];
	_ =	sdelay $0x3  }
0x36: {  	p1 =	seq.s32 s10, $0x1;
	s10 =	sld [smem:$0x3FB6];
	_ =	sdelay $0x3  }
0x37: {  	[smem:$0x3FB6] =	sst s10  }
0x38: {  	s10 =	sld [smem:$0x3FB7]  }
0x39: {  	_ = 	snop;
	(pc) =	sbr.ind lr, $3  }
0x3a: {  	_ = 	snop  }
0x3b: {  	_ = 	snop  }
0x3c: {  	p2 =	seq.s32 s10, $0x1;
	s10 =	sld [smem:$0x3FB6]  }
0x3d: {  	_ =	shalt  }
0x3e: {  	_ =	shalt  }
0x3f: {  	_ =	shalt  }
0x40: {  	_ =	shalt  }
0x41: {  	_ =	shalt  }
0x42: {  	_ =	shalt  }
0x43: {  	_ =	shalt  }
0x44: {  	_ =	shalt  }
0x45: {  	_ =	shalt  }
0x46: {  	_ =	shalt  }
0x47: {  	_ =	shalt  }
0x48: {  	_ =	shalt  }
0x49: {  	_ =	shalt  }
0x4a: {  	_ =	shalt  }
0x4b: {  	_ =	shalt  }
0x4c: {  	_ =	shalt  }
0x4d: {  	_ =	shalt  }
0x4e: {  	_ =	shalt  }
0x4f: {  	_ =	shalt  }
0x50: {  	_ =	shalt  }
0x51: {  	_ =	shalt  }
0x52: {  	_ =	shalt  }
0x53: {  	_ =	shalt  }
0x54: {  	_ =	shalt  }
0x55: {  	_ =	shalt  }
0x56: {  	_ =	shalt  }
0x57: {  	_ =	shalt  }
0x58: {  	_ =	shalt  }
0x59: {  	_ =	shalt  }
0x5a: {  	_ =	shalt  }
0x5b: {  	_ =	shalt  }
0x5c: {  	_ =	shalt  }
0x5d: {  	_ =	shalt  }
0x5e: {  	_ =	shalt  }
0x5f: {  	_ =	shalt  }
0x60: {  	_ =	shalt  }
0x61: {  	_ =	shalt  }
0x62: {  	_ =	shalt  }
0x63: {  	_ =	shalt  }
0x64: {  	_ =	shalt  }
0x65: {  	_ =	shalt  }
0x66: {  	_ =	shalt  }
0x67: {  	_ =	shalt  }
0x68: {  	_ =	shalt  }
0x69: {  	_ =	shalt  }
0x6a: {  	_ =	shalt  }
0x6b: {  	_ =	shalt  }
0x6c: {  	_ =	shalt  }
0x6d: {  	_ =	shalt  }
0x6e: {  	_ =	shalt  }
0x6f: {  	_ =	shalt  }
0x70: {  	_ =	shalt  }
0x71: {  	_ =	shalt  }
0x72: {  	_ =	shalt  }
0x73: {  	_ =	shalt  }
0x74: {  	_ =	shalt  }
0x75: {  	_ =	shalt  }
0x76: {  	_ =	shalt  }
0x77: {  	_ =	shalt  }
0x78: {  	_ =	shalt  }
0x79: {  	_ =	shalt  }
0x7a: {  	_ =	shalt  }
0x7b: {  	_ =	shalt  }
0x7c: {  	_ =	shalt  }
0x7d: {  	_ =	shalt  }
0x7e: {  	_ =	shalt  }
0x7f: {  	_ =	shalt  }
0x80: {  	_ =	shalt  }
0x81: {  	_ =	shalt  }
0x82: {  	_ =	shalt  }
0x83: {  	_ =	shalt  }
0x84: {  	_ =	shalt  }
0x85: {  	_ =	shalt  }
0x86: {  	_ =	shalt  }
0x87: {  	_ =	shalt  }
.Lfunc_end0:
.L_simem_size_0:
called_computation_lowered:
.L_overlay_start_0:
0x88: {  	s2 =	sld [smem:$0x3FD9]  }
0x89: {  	s3 =	sld [smem:$0x3FFE];
	_ =	sdelay $0x1  }
0x8a: {  	s1 =	srdreg.scid  }
0x8b: {  	s0 =	sand.u32 $0x1, s1  }
0x8c: {  	s16 =	sshll.u32 s0, $0xA;
	s2 =	sadd.s32 s3, s2  }
0x8d: {  	s2 =	sadd.s32 s2, s16  }
0x8e: {  	[smem:$0x3FC2] =	sst s2  }
0x8f: {  	_ = 	snop  }
0x90: {  	(tm) =	ssettm $0x1  }
0x91: {  	s17 =	sld [smem:$0x3FFB];
	_ =	sdelay $0x3  }
0x92: {  	_ =	strace s17  }
0x93: {  	s2 =	sld [smem:$0x3FFC];
	_ =	sdelay $0x3  }
0x94: {  	_ =	strace s2  }
0x95: {  	s2 =	sld [smem:$0x3FFD];
	_ =	sdelay $0x3  }
0x96: {  	_ =	strace s2  }
0x97: {  	_ =	strace $0x8FFFFFFF  }
0x98: {  	s18 =	sld [smem:$0x3FDB];
	_ =	sdelay $0x1  }
0x99: {  	s19 =	simm.s32 $_scs_section_size  }
0x9a: {  	s4 =	simm.s32 $_size__tile_overlayer_lowered;
	s5 =	simm.s32 $_tile_overlayer_lowered  }
0x9b: {  	s22 =	simm.s32 $0x1BFF;
	s21 =	sshll.u32 s5, $0x1;
	s2 =	sadd.s32 s19, s18  }
0x9c: {  	s6 =	simm.s32 $0x0;
	s20 =	sshll.u32 s4, $0x1;
	s4 =	sadd.s32 s21, s2  }
0x9d: {  	[timem:s6], [sflag:s22] =	dma.local [hbm:s4], s20  }
0x9e: {  	_ =	swait.ge [sflag:s22], s20  }
0x9f: {  	s3 =	ssub.s32 $0x0, s20;
	[sflag:s22] =	ssyncset.done $0x0  }
0xa0: {  	[sflag:s22] =	ssyncadd.s32 s3;
	_ =	sdelay $0x1  }
0xa1: {  	s23 =	simm.s32 $0x1B8B  }
0xa2: {  	_ =	swait.ge [sflag:s23], $0x1  }
0xa3: {  	[sflag:s23] =	ssyncset.done $0x0  }
0xa4: {  	s25 =	simm.s32 $0x1B8E;
	s24 =	sld [smem:$0x3FFE];
	[sflag:s23] =	ssyncadd.s32 $0xFFFFFFFF  }
0xa5: {  	s26 =	simm.s32 $execute0_lowered;
	[smem:$0x3FD2] =	sst s25  }
0xa6: {  	s4 =	sshll.u32 s26, $0x1;
	_ =	strace $0x80000046;
	[dreg:$0x1] =	wrdreg $0xFFFFFFFF  }
0xa7: {  	s28 =	simm.s32 $_size_execute0_lowered;
	s2 =	sadd.s32 s2, s4;
	[dreg:$0x0] =	wrdreg $0x0  }
0xa8: {  	s4 =	sshll.u32 s28, $0x1;
	[dreg:$0x2] =	wrdreg s2  }
0xa9: {  	[dreg:$0x3] =	wrdreg s4  }
0xaa: {  	[dreg:$0x4] =	wrdreg $0xC0  }
0xab: {  	_ =	task [dreg:s6], $0x5FFFF  }
0xac: {  	[dreg:$0x1] =	wrdreg $0xFFFFFFFF  }
0xad: {  	[dreg:$0x0] =	wrdreg $0x60  }
0xae: {  	[dreg:$0x2] =	wrdreg s24  }
0xaf: {  	[dreg:$0x3] =	wrdreg $0x9  }
0xb0: {  	_ =	task.clear_ibuf [dreg:s6], $0x4FFFF;
	_ =	strace $0x90000046  }
0xb1: {  	s29 =	simm.s32 $0x9;
	_ =	strace $0x80000048  }
0xb2: {  	_ =	swait.ge [sflag:s29], $0x1  }
0xb3: {  	[sflag:s29] =	ssyncadd.s32 $0xFFFFFFFF  }
0xb4: {  	_ =	strace $0x90000048  }
0xb5: {  	_ =	sfence  }
0xb6: {  	s30 =	sld [smem:$0x0];
	_ =	sdelay $0x2  }
0xb7: {  	s31 =	sshll.u32 s1, $0xD;
	s1 =	sshrl.u32 s1, $0x2  }
0xb8: {  	s3 =	sand.u32 $0x4000, s31;
	s1 =	sadd.s32 s1, s30  }
0xb9: {  	s0 =	sor.u32 s3, s0;
	s1 =	sshll.u32 s1, $0x11  }
0xba: {  	s0 =	sor.u32 s1, s0  }
0xbb: {  	s0 =	sadd.s32 $0x8F2B, s0  }
0xbc: {  	[sflag:s0] =	ssyncadd.remote.s32 $0x1  }
0xbd: {  	_ =	sfence.sel $0xFFFF  }
0xbe: {  	[dreg:$0x0] =	wrdreg $0xFFFFFFFF;
	(pc) =	sbr.abs _section_cstart, $3  }
0xbf: {  	[dreg:$0x1] =	wrdreg $0xFFFFFFFF  }
0xc0: {  	_ =	task.clear_ibuf [dreg:s6], $0x2FFFF;
	_ =	strace $0x9FFFFFFF  }
0xc1: {  	(tm) =	ssettm $0x7FFFFFFF  }
tec
execute0_lowered:
.L_overlay_start_1:
0x0: {  	(tag) =	ssettag $0x1  }
0x1: {  	s4 =	rddreg [dreg:$0x0]  }
0x2: {  	s0 =	rddreg [dreg:$0x1];
	s2 =	simm.s32 $0x0  }
0x3: {  	s3 =	srdreg.scid;
	s1 =	stileid.u32;
	s16 =	simm.s32 $0x6400  }
0x4: {  	s17 =	simm.s32 $0xD800;
	s18 =	simm.s32 $0x1;
	s19 =	simm.s32 $0x2  }
0x5: {  	s20 =	simm.s32 $0x0;
	[smem:$0x7FF] =	sst s2;
	s5 =	sand.u32 $0x1, s3  }
0x6: {  	s6 =	sshll.u32 s1, $0x1;
	s9 =	sadd.s32 $0x3D1800, s4;
	s3 =	sadd.s32 $0xE00, s4  }
0x7: {  	s11 =	sadd.s32 $0x435800, s4;
	s7 =	sor.u32 s5, s6;
	s23 =	ssub.s32 $0x2, s5  }
0x8: {  	_ =	strace $0x80000047;
	s24 =	sshll.u32 s7, $0x2;
	s25 =	sshrl.u32 s23, $0x1  }
0x9: {  	s8 =	smul.u32 $0x3200, s7;
	s28 =	sshll.u32 s7, $0xB;
	s15 =	sshllo.u32 s7, $0x2  }
0xa: {  	s10 =	sor.u32 $0x1, s24;
	s12 =	ssub.s32 s23, s25;
	s13 =	sor.u32 $0x2, s24  }
0xb: {  	s6 =	sadd.s32 s11, s28;
	s30 =	smul.u32 $0xC80, s15;
	s31 =	sshll.u32 s15, $0x9  }
0xc: {  	s15 =	simm.s32 $0xC800;
	s26 =	smul.u32 $0xC80, s10;
	s4 =	sadd.s32 s9, s8  }
0xd: {  	s14 =	smul.u32 $0xC80, s13;
	s29 =	sshll.u32 s10, $0x9;
	s13 =	sshll.u32 s13, $0x9  }
0xe: {  	s12 =	smax.u32 s12, $0x1;
	s8 =	sadd.s32 s11, s29;
	s10 =	sadd.s32 s11, s13  }
0xf: {  	s11 =	sadd.s32 s11, s31;
	s13 =	simm.s32 $0x3;
	s5 =	sadd.s32 s9, s26  }
0x10: {  	v0 =	vimm.f32 $0.0e+00;
	s7 =	sadd.s32 s9, s14;
	s9 =	sadd.s32 s9, s30;
	s14 =	simm.s32 $0x80  }
.LBB2_1:
0x11: {  	[tilespmem:s2], [sflag:$0x3] =	stream.linear.gather [hbm4b:s4+s2], $0x6400, $0x38;
	[tilespmem:$0xE800] =	vst v63  }
0x12: {  	_ =	swait.ge [sflag:s13], $0x6400  }
0x13: {  	[sflag:s13] =	ssyncset.done $0x0  }
0x14: {  	s21 =	simm.s32 $0xC880;
	[sflag:s13] =	ssyncadd.s32 $0xFFFF9C00  }
0x15: {  	[tilespmem:s21+$0xFFFFFF80] =	vst v0  }
0x16: {  	[tilespmem:s21+$0x70] =	vst v0  }
0x17: {  	[tilespmem:s21+$0x60] =	vst v0  }
0x18: {  	[tilespmem:s21+$0x50] =	vst v0  }
0x19: {  	[tilespmem:s21+$0x40] =	vst v0  }
0x1a: {  	[tilespmem:s21+$0x30] =	vst v0  }
0x1b: {  	[tilespmem:s21+$0x20] =	vst v0  }
0x1c: {  	[tilespmem:s21+$0x10] =	vst v0  }
0x1d: {  	[tilespmem:s21+$0x0] =	vst v0  }
0x1e: {  	[tilespmem:s21+$0xFFFFFFF0] =	vst v0  }
0x1f: {  	[tilespmem:s21+$0xFFFFFFE0] =	vst v0  }
0x20: {  	[tilespmem:s21+$0xFFFFFFD0] =	vst v0  }
0x21: {  	[tilespmem:s21+$0xFFFFFFC0] =	vst v0  }
0x22: {  	[tilespmem:s21+$0xFFFFFFB0] =	vst v0  }
0x23: {  	s22 =	simm.s32 $0x0;
	[tilespmem:s21+$0xFFFFFFA0] =	vst v0  }
.LBB2_2:
0x24: {  	s22 =	sadd.s32 $0x8, s22;
	[tilespmem:s21+$0xFFFFFF90] =	vst v0;
	s21 =	sadd.s32 $0x100, s21  }
0x25: {  	[tilespmem:s21+$0xFFFFFF80] =	vst v0;
	p0 =	slt.u32 s22, $0x78  }
0x26: {  	[tilespmem:s21+$0x70] =	vst v0  }
0x27: {  	[tilespmem:s21+$0x60] =	vst v0  }
0x28: {  	[tilespmem:s21+$0x50] =	vst v0  }
0x29: {  	[tilespmem:s21+$0x40] =	vst v0  }
0x2a: {  	[tilespmem:s21+$0x30] =	vst v0  }
0x2b: {  	[tilespmem:s21+$0x20] =	vst v0  }
0x2c: {  	[tilespmem:s21+$0x10] =	vst v0  }
0x2d: {  	[tilespmem:s21+$0x0] =	vst v0  }
0x2e: {  	[tilespmem:s21+$0xFFFFFFF0] =	vst v0  }
.Ltmp0:
0x2f: {  	[tilespmem:s21+$0xFFFFFFE0] =	vst v0;
	(pc) =	sbr.rel @p0 .LBB2_2-.Ltmp0, $4  }
0x30: {  	[tilespmem:s21+$0xFFFFFFD0] =	vst v0  }
0x31: {  	[tilespmem:s21+$0xFFFFFFC0] =	vst v0  }
0x32: {  	[tilespmem:s21+$0xFFFFFFB0] =	vst v0  }
0x33: {  	[tilespmem:s21+$0xFFFFFFA0] =	vst v0  }
0x34: {  	[tilespmem:s21+$0xFFFFFF90] =	vst v0;
	s21 =	simm.s32 $0x200;
	s22 =	simm.s32 $0x0  }
.LBB2_4:
0x35: {  	[tilespmem:s15], [sflag:$0x1] =	stream.indirect.gather.add.f32 [hbm:s3], $0x20, s22, s14, $0xb8;
	[tilespmem:$0xE800] =	vst v63  }
0x36: {  	s22 =	smov.u32 s21;
	p0 =	sne.s32 s21, $0x18E00  }
.Ltmp1:
0x37: {  	s21 =	sadd.s32 $0x200, s21;
	(pc) =	sbr.rel @p0 .LBB2_4-.Ltmp1, $2  }
0x38: {  	_ =	sdelay $0x2  }
0x39: {  	s22 =	sshra.s32 s22, $0x2  }
0x3a: {  	[tilespmem:s15], [sflag:$0x1] =	stream.indirect.gather.add.f32 [hbm:s3], $0x20, s22, s14, $0xb8;
	[tilespmem:$0xE800] =	vst v63  }
0x3b: {  	_ = 	snop  }
0x3c: {  	[tilespmem:s16], [sflag:$0x3] =	stream.linear.gather [hbm4b:s5+s2], $0x6400, $0x38;
	[tilespmem:$0xE800] =	vst v63  }
0x3d: {  	_ =	swait.ge [sflag:s13], $0x6400  }
0x3e: {  	[sflag:s13] =	ssyncset.done $0x0  }
0x3f: {  	s21 =	simm.s32 $0xD8F0;
	[sflag:s13] =	ssyncadd.s32 $0xFFFF9C00  }
0x40: {  	[tilespmem:s21+$0xFFFFFF10] =	vst v0  }
0x41: {  	[tilespmem:s21+$0x0] =	vst v0  }
0x42: {  	[tilespmem:s21+$0xFFFFFFF0] =	vst v0  }
0x43: {  	[tilespmem:s21+$0xFFFFFFE0] =	vst v0  }
0x44: {  	[tilespmem:s21+$0xFFFFFFD0] =	vst v0  }
0x45: {  	[tilespmem:s21+$0xFFFFFFC0] =	vst v0  }
0x46: {  	[tilespmem:s21+$0xFFFFFFB0] =	vst v0  }
0x47: {  	[tilespmem:s21+$0xFFFFFFA0] =	vst v0  }
0x48: {  	[tilespmem:s21+$0xFFFFFF90] =	vst v0  }
0x49: {  	[tilespmem:s21+$0xFFFFFF80] =	vst v0  }
0x4a: {  	[tilespmem:s21+$0xFFFFFF70] =	vst v0  }
0x4b: {  	[tilespmem:s21+$0xFFFFFF60] =	vst v0  }
0x4c: {  	[tilespmem:s21+$0xFFFFFF50] =	vst v0  }
0x4d: {  	[tilespmem:s21+$0xFFFFFF40] =	vst v0  }
0x4e: {  	s22 =	simm.s32 $0x0;
	[tilespmem:s21+$0xFFFFFF30] =	vst v0  }
.LBB2_6:
0x4f: {  	s22 =	sadd.s32 $0x8, s22;
	[tilespmem:s21+$0xFFFFFF20] =	vst v0;
	s21 =	sadd.s32 $0x100, s21  }
0x50: {  	[tilespmem:s21+$0xFFFFFF10] =	vst v0;
	p0 =	slt.u32 s22, $0x78  }
0x51: {  	[tilespmem:s21+$0x0] =	vst v0  }
0x52: {  	[tilespmem:s21+$0xFFFFFFF0] =	vst v0  }
0x53: {  	[tilespmem:s21+$0xFFFFFFE0] =	vst v0  }
0x54: {  	[tilespmem:s21+$0xFFFFFFD0] =	vst v0  }
0x55: {  	[tilespmem:s21+$0xFFFFFFC0] =	vst v0  }
0x56: {  	[tilespmem:s21+$0xFFFFFFB0] =	vst v0  }
0x57: {  	[tilespmem:s21+$0xFFFFFFA0] =	vst v0  }
0x58: {  	[tilespmem:s21+$0xFFFFFF90] =	vst v0  }
0x59: {  	[tilespmem:s21+$0xFFFFFF80] =	vst v0  }
.Ltmp2:
0x5a: {  	[tilespmem:s21+$0xFFFFFF70] =	vst v0;
	(pc) =	sbr.rel @p0 .LBB2_6-.Ltmp2, $4  }
0x5b: {  	[tilespmem:s21+$0xFFFFFF60] =	vst v0  }
0x5c: {  	[tilespmem:s21+$0xFFFFFF50] =	vst v0  }
0x5d: {  	[tilespmem:s21+$0xFFFFFF40] =	vst v0  }
0x5e: {  	[tilespmem:s21+$0xFFFFFF30] =	vst v0  }
0x5f: {  	[tilespmem:s21+$0xFFFFFF20] =	vst v0;
	s21 =	simm.s32 $0x0  }
.LBB2_8:
0x60: {  	p0 =	sne.s32 s21, $0x18E00  }
.Ltmp3:
0x61: {  	_ = 	snop;
	(pc) =	sbr.rel @p0 .LBB2_8-.Ltmp3, $4  }
0x62: {  	_ = 	snop  }
0x63: {  	s22 =	sshra.s32 s21, $0x2  }
0x64: {  	s21 =	sadd.s32 $0x200, s21;
	s22 =	sadd.s32 $0x6400, s22  }
0x65: {  	[tilespmem:s17], [sflag:$0x2] =	stream.indirect.gather.add.f32 [hbm:s3], $0x20, s22, s14, $0xb8;
	[tilespmem:$0xE800] =	vst v63  }
0x66: {  	_ =	swait.ge [sflag:s18], $0x1000  }
0x67: {  	s21 =	simm.s32 $0xC7;
	[sflag:s18] =	ssyncset.done $0x0  }
.LBB2_10:
0x68: {  	p0 =	sne.s32 s21, $0x1;
	s21 =	sadd.s32 $0xFFFFFFFF, s21;
	[sflag:s18] =	ssyncadd.s32 $0xFFFFF000  }
.Ltmp4:
0x69: {  	(pc) =	sbr.rel @p0 .LBB2_10-.Ltmp4, $3  }
0x6a: {  	_ =	sdelay $0x1  }
0x6b: {  	_ =	swait.ge [sflag:s18], $0x1000  }
0x6c: {  	[sflag:s18] =	ssyncset.done $0x0  }
0x6d: {  	[sflag:s18] =	ssyncadd.s32 $0xFFFFF000  }
0x6e: {  	[hbm4b:s6+s2] =	stream.linear.scatter [tilespmem:s15], [sflag:$0x3], $0x1000, $0x38;
	[tilespmem:$0xE800] =	vst v63  }
0x6f: {  	_ =	swait.ge [sflag:s13], $0x1000  }
0x70: {  	[sflag:s13] =	ssyncset.done $0x0  }
0x71: {  	[sflag:s13] =	ssyncadd.s32 $0xFFFFF000  }
0x72: {  	[tilespmem:s2], [sflag:$0x3] =	stream.linear.gather [hbm4b:s7+s2], $0x6400, $0x38;
	[tilespmem:$0xE800] =	vst v63  }
0x73: {  	_ =	swait.ge [sflag:s13], $0x6400  }
0x74: {  	[sflag:s13] =	ssyncset.done $0x0  }
0x75: {  	s21 =	simm.s32 $0xC880;
	[sflag:s13] =	ssyncadd.s32 $0xFFFF9C00  }
0x76: {  	[tilespmem:s21+$0xFFFFFF80] =	vst v0  }
0x77: {  	[tilespmem:s21+$0x70] =	vst v0  }
0x78: {  	[tilespmem:s21+$0x60] =	vst v0  }
0x79: {  	[tilespmem:s21+$0x50] =	vst v0  }
0x7a: {  	[tilespmem:s21+$0x40] =	vst v0  }
0x7b: {  	[tilespmem:s21+$0x30] =	vst v0  }
0x7c: {  	[tilespmem:s21+$0x20] =	vst v0  }
0x7d: {  	[tilespmem:s21+$0x10] =	vst v0  }
0x7e: {  	[tilespmem:s21+$0x0] =	vst v0  }
0x7f: {  	[tilespmem:s21+$0xFFFFFFF0] =	vst v0  }
0x80: {  	[tilespmem:s21+$0xFFFFFFE0] =	vst v0  }
0x81: {  	[tilespmem:s21+$0xFFFFFFD0] =	vst v0  }
0x82: {  	[tilespmem:s21+$0xFFFFFFC0] =	vst v0  }
0x83: {  	[tilespmem:s21+$0xFFFFFFB0] =	vst v0  }
0x84: {  	s22 =	simm.s32 $0x0;
	[tilespmem:s21+$0xFFFFFFA0] =	vst v0  }
.LBB2_12:
0x85: {  	s22 =	sadd.s32 $0x8, s22;
	[tilespmem:s21+$0xFFFFFF90] =	vst v0;
	s21 =	sadd.s32 $0x100, s21  }
0x86: {  	[tilespmem:s21+$0xFFFFFF80] =	vst v0;
	p0 =	slt.u32 s22, $0x78  }
0x87: {  	[tilespmem:s21+$0x70] =	vst v0  }
0x88: {  	[tilespmem:s21+$0x60] =	vst v0  }
0x89: {  	[tilespmem:s21+$0x50] =	vst v0  }
0x8a: {  	[tilespmem:s21+$0x40] =	vst v0  }
0x8b: {  	[tilespmem:s21+$0x30] =	vst v0  }
0x8c: {  	[tilespmem:s21+$0x20] =	vst v0  }
0x8d: {  	[tilespmem:s21+$0x10] =	vst v0  }
0x8e: {  	[tilespmem:s21+$0x0] =	vst v0  }
0x8f: {  	[tilespmem:s21+$0xFFFFFFF0] =	vst v0  }
.Ltmp5:
0x90: {  	[tilespmem:s21+$0xFFFFFFE0] =	vst v0;
	(pc) =	sbr.rel @p0 .LBB2_12-.Ltmp5, $4  }
0x91: {  	[tilespmem:s21+$0xFFFFFFD0] =	vst v0  }
0x92: {  	[tilespmem:s21+$0xFFFFFFC0] =	vst v0  }
0x93: {  	[tilespmem:s21+$0xFFFFFFB0] =	vst v0  }
0x94: {  	[tilespmem:s21+$0xFFFFFFA0] =	vst v0  }
0x95: {  	[tilespmem:s21+$0xFFFFFF90] =	vst v0;
	s21 =	simm.s32 $0x0  }
.LBB2_14:
0x96: {  	p0 =	sne.s32 s21, $0x18E00  }
.Ltmp6:
0x97: {  	_ = 	snop;
	(pc) =	sbr.rel @p0 .LBB2_14-.Ltmp6, $3  }
0x98: {  	_ =	sdelay $0x1  }
0x99: {  	s22 =	sshra.s32 s21, $0x2;
	s21 =	sadd.s32 $0x200, s21  }
0x9a: {  	[tilespmem:s15], [sflag:$0x1] =	stream.indirect.gather.add.f32 [hbm:s3], $0x20, s22, s14, $0xb8;
	[tilespmem:$0xE800] =	vst v63  }
0x9b: {  	_ =	swait.ge [sflag:s19], $0x1000  }
0x9c: {  	s21 =	simm.s32 $0xC7;
	[sflag:s19] =	ssyncset.done $0x0  }
.LBB2_16:
0x9d: {  	p0 =	sne.s32 s21, $0x1;
	s21 =	sadd.s32 $0xFFFFFFFF, s21;
	[sflag:s19] =	ssyncadd.s32 $0xFFFFF000  }
.Ltmp7:
0x9e: {  	(pc) =	sbr.rel @p0 .LBB2_16-.Ltmp7, $3  }
0x9f: {  	_ =	sdelay $0x1  }
0xa0: {  	_ =	swait.ge [sflag:s19], $0x1000  }
0xa1: {  	[sflag:s19] =	ssyncset.done $0x0  }
0xa2: {  	[sflag:s19] =	ssyncadd.s32 $0xFFFFF000  }
0xa3: {  	[hbm4b:s8+s2] =	stream.linear.scatter [tilespmem:s17], [sflag:$0x3], $0x1000, $0x38;
	[tilespmem:$0xE800] =	vst v63  }
0xa4: {  	_ =	swait.ge [sflag:s13], $0x1000  }
0xa5: {  	[sflag:s13] =	ssyncset.done $0x0  }
0xa6: {  	[sflag:s13] =	ssyncadd.s32 $0xFFFFF000  }
0xa7: {  	[tilespmem:s16], [sflag:$0x3] =	stream.linear.gather [hbm4b:s9+s2], $0x6400, $0x38;
	[tilespmem:$0xE800] =	vst v63  }
0xa8: {  	_ =	swait.ge [sflag:s13], $0x6400  }
0xa9: {  	[sflag:s13] =	ssyncset.done $0x0  }
0xaa: {  	s21 =	simm.s32 $0xD8F0;
	[sflag:s13] =	ssyncadd.s32 $0xFFFF9C00  }
0xab: {  	[tilespmem:s21+$0xFFFFFF10] =	vst v0  }
0xac: {  	[tilespmem:s21+$0x0] =	vst v0  }
0xad: {  	[tilespmem:s21+$0xFFFFFFF0] =	vst v0  }
0xae: {  	[tilespmem:s21+$0xFFFFFFE0] =	vst v0  }
0xaf: {  	[tilespmem:s21+$0xFFFFFFD0] =	vst v0  }
0xb0: {  	[tilespmem:s21+$0xFFFFFFC0] =	vst v0  }
0xb1: {  	[tilespmem:s21+$0xFFFFFFB0] =	vst v0  }
0xb2: {  	[tilespmem:s21+$0xFFFFFFA0] =	vst v0  }
0xb3: {  	[tilespmem:s21+$0xFFFFFF90] =	vst v0  }
0xb4: {  	[tilespmem:s21+$0xFFFFFF80] =	vst v0  }
0xb5: {  	[tilespmem:s21+$0xFFFFFF70] =	vst v0  }
0xb6: {  	[tilespmem:s21+$0xFFFFFF60] =	vst v0  }
0xb7: {  	[tilespmem:s21+$0xFFFFFF50] =	vst v0  }
0xb8: {  	[tilespmem:s21+$0xFFFFFF40] =	vst v0  }
0xb9: {  	s22 =	simm.s32 $0x0;
	[tilespmem:s21+$0xFFFFFF30] =	vst v0  }
.LBB2_18:
0xba: {  	s22 =	sadd.s32 $0x8, s22;
	[tilespmem:s21+$0xFFFFFF20] =	vst v0;
	s21 =	sadd.s32 $0x100, s21  }
0xbb: {  	[tilespmem:s21+$0xFFFFFF10] =	vst v0;
	p0 =	slt.u32 s22, $0x78  }
0xbc: {  	[tilespmem:s21+$0x0] =	vst v0  }
0xbd: {  	[tilespmem:s21+$0xFFFFFFF0] =	vst v0  }
0xbe: {  	[tilespmem:s21+$0xFFFFFFE0] =	vst v0  }
0xbf: {  	[tilespmem:s21+$0xFFFFFFD0] =	vst v0  }
0xc0: {  	[tilespmem:s21+$0xFFFFFFC0] =	vst v0  }
0xc1: {  	[tilespmem:s21+$0xFFFFFFB0] =	vst v0  }
0xc2: {  	[tilespmem:s21+$0xFFFFFFA0] =	vst v0  }
0xc3: {  	[tilespmem:s21+$0xFFFFFF90] =	vst v0  }
0xc4: {  	[tilespmem:s21+$0xFFFFFF80] =	vst v0  }
.Ltmp8:
0xc5: {  	[tilespmem:s21+$0xFFFFFF70] =	vst v0;
	(pc) =	sbr.rel @p0 .LBB2_18-.Ltmp8, $4  }
0xc6: {  	[tilespmem:s21+$0xFFFFFF60] =	vst v0  }
0xc7: {  	[tilespmem:s21+$0xFFFFFF50] =	vst v0  }
0xc8: {  	[tilespmem:s21+$0xFFFFFF40] =	vst v0  }
0xc9: {  	[tilespmem:s21+$0xFFFFFF30] =	vst v0  }
0xca: {  	[tilespmem:s21+$0xFFFFFF20] =	vst v0;
	s21 =	simm.s32 $0x0  }
.LBB2_20:
0xcb: {  	p0 =	sne.s32 s21, $0x18E00  }
.Ltmp9:
0xcc: {  	_ = 	snop;
	(pc) =	sbr.rel @p0 .LBB2_20-.Ltmp9, $4  }
0xcd: {  	_ = 	snop  }
0xce: {  	s22 =	sshra.s32 s21, $0x2  }
0xcf: {  	s21 =	sadd.s32 $0x200, s21;
	s22 =	sadd.s32 $0x6400, s22  }
0xd0: {  	[tilespmem:s17], [sflag:$0x2] =	stream.indirect.gather.add.f32 [hbm:s3], $0x20, s22, s14, $0xb8;
	[tilespmem:$0xE800] =	vst v63  }
0xd1: {  	_ =	swait.ge [sflag:s18], $0x1000  }
0xd2: {  	s21 =	simm.s32 $0xC7;
	[sflag:s18] =	ssyncset.done $0x0  }
.LBB2_22:
0xd3: {  	p0 =	sne.s32 s21, $0x1;
	s21 =	sadd.s32 $0xFFFFFFFF, s21;
	[sflag:s18] =	ssyncadd.s32 $0xFFFFF000  }
.Ltmp10:
0xd4: {  	(pc) =	sbr.rel @p0 .LBB2_22-.Ltmp10, $3  }
0xd5: {  	_ =	sdelay $0x1  }
0xd6: {  	_ =	swait.ge [sflag:s18], $0x1000  }
0xd7: {  	[sflag:s18] =	ssyncset.done $0x0  }
0xd8: {  	[sflag:s18] =	ssyncadd.s32 $0xFFFFF000  }
0xd9: {  	[hbm4b:s10+s2] =	stream.linear.scatter [tilespmem:s15], [sflag:$0x3], $0x1000, $0x38;
	[tilespmem:$0xE800] =	vst v63  }
0xda: {  	_ =	swait.ge [sflag:s13], $0x1000  }
0xdb: {  	[sflag:s13] =	ssyncset.done $0x0  }
0xdc: {  	[sflag:s13] =	ssyncadd.s32 $0xFFFFF000  }
0xdd: {  	_ =	swait.ge [sflag:s19], $0x1000  }
0xde: {  	s21 =	simm.s32 $0xC7;
	[sflag:s19] =	ssyncset.done $0x0  }
.LBB2_24:
0xdf: {  	p0 =	sne.s32 s21, $0x1;
	s21 =	sadd.s32 $0xFFFFFFFF, s21;
	[sflag:s19] =	ssyncadd.s32 $0xFFFFF000  }
.Ltmp11:
0xe0: {  	(pc) =	sbr.rel @p0 .LBB2_24-.Ltmp11, $3  }
0xe1: {  	_ =	sdelay $0x1  }
0xe2: {  	_ =	swait.ge [sflag:s19], $0x1000  }
0xe3: {  	[sflag:s19] =	ssyncset.done $0x0  }
0xe4: {  	s20 =	sadd.s32 $0x1, s20  }
0xe5: {  	p0 =	sne.s32 s20, s12  }
.Ltmp12:
0xe6: {  	[sflag:s19] =	ssyncadd.s32 $0xFFFFF000;
	(pc) =	sbr.rel @p0 .LBB2_1-.Ltmp12, $4  }
0xe7: {  	[hbm4b:s11+s2] =	stream.linear.scatter [tilespmem:s17], [sflag:$0x3], $0x1000, $0x38;
	[tilespmem:$0xE800] =	vst v63  }
0xe8: {  	_ =	swait.ge [sflag:s13], $0x1000  }
0xe9: {  	[sflag:s13] =	ssyncset.done $0x0  }
0xea: {  	[sflag:s13] =	ssyncadd.s32 $0xFFFFF000  }
0xeb: {  	_ =	sfence.sel $0x180000  }
0xec: {  	[bflag:$0x0] =	sbarrier.arrive $0xFFFF  }
0xed: {  	p0 =	sne.s32 s1, $0x0;
	_ =	strace $0x90000047  }
0xee: {  	s0 =	sadd.s32 @!p0 $0x100000, s0;
	[bflag:$0x2] =	sbarrier.arrive $0xFFFF  }
0xef: {  	[sflag:s0] =	ssyncadd.tile.s32 @!p0 $0x1;
	_ =	shalt  }
.Lfunc_end2:
_tile_overlayer_lowered:
.L_overlay_start_2:
0xf0: {  	(tag) =	ssettag $0x2  }
0xf1: {  	s0 =	rddreg [dreg:$0x0];
	s2 =	stileid.u32  }
0xf2: {  	s1 =	rddreg [dreg:$0x1];
	p0 =	sne.s32 s2, $0x0  }
0xf3: {  	s3 =	rddreg [dreg:$0x2];
	[bflag:$0x3] =	sbarrier.arrive $0xFFFF;
	s2 =	simm.s32 @!p0 $0x1C03  }
0xf4: {  	[timem:s3], [sflag:s2] =	dma.local @!p0 [hbm:s0], s1  }
0xf5: {  	s0 =	simm.s32 @!p0 $0x3  }
0xf6: {  	_ =	swait.ge @!p0 [sflag:s0], s1  }
0xf7: {  	s1 =	ssub.s32 @!p0 $0x0, s1;
	[sflag:s0] =	ssyncset.done @!p0 $0x0  }
0xf8: {  	[sflag:s0] =	ssyncadd.s32 @!p0 s1  }
0xf9: {  	[bflag:$0x3] =	sbarrier.arrive $0xFFFF  }
0xfa: {  	_ =	shalt  }

</sc_bundles>
